<compile_context>
chip_gen: v7x
topology: tpu7x:2x2x1
jax: 0.10.2.dev20260603
libtpu: 0.0.44.dev20260713+nightly
codegen_flags: <defaults>
</compile_context>

<pallas_src>
import functools

import jax
import jax.numpy as jnp
from jax import lax
from jax.experimental import pallas as pl
from jax.experimental.pallas import tpu as pltpu
from jax.experimental.pallas import tpu_sc as plsc

N = 4000000
NW = 32
PER = N // NW
STEPS = 25
R = PER // STEPS
GW = 6 * R
VW = 3 * R
FULL_GROUPS = R // 16
REM = R - 16 * FULL_GROUPS


def _accum_group(gbuf, vbuf, accs, b6, b3, lane_ok):
    accs = list(accs)
    for j in range(3):
        bcf = plsc.load_gather(gbuf, [b6 + (2 * j)])
        dst = plsc.load_gather(gbuf, [b6 + (2 * j + 1)])
        val = plsc.load_gather(vbuf, [b3 + j])
        nanm = val != val
        if lane_ok is None:
            bcm = jnp.logical_not(nanm)
            nbcm = nanm
        else:
            bcm = jnp.logical_not(nanm) & lane_ok
            nbcm = nanm & lane_ok
        negm = (dst < 0.0) & nbcm
        d = bcf - val
        sq = d * d
        sqd = dst * dst
        k = 5 * j
        accs[k + 0] = accs[k + 0] + jnp.where(bcm, sq, 0.0)
        accs[k + 1] = accs[k + 1] + jnp.where(bcm, sqd, 0.0)
        accs[k + 2] = accs[k + 2] + jnp.where(bcm, 1.0, 0.0)
        accs[k + 3] = accs[k + 3] + jnp.where(negm, sqd, 0.0)
        accs[k + 4] = accs[k + 4] + jnp.where(negm, 1.0, 0.0)
    return tuple(accs)


def _process_chunk(gbuf, vbuf, accs):
    rowi = lax.iota(jnp.int32, 16)
    r6 = rowi * 6
    r3 = rowi * 3

    def grp(g, accs):
        b6 = r6 + g * 96
        b3 = r3 + g * 48
        return _accum_group(gbuf, vbuf, accs, b6, b3, None)

    accs = lax.fori_loop(0, FULL_GROUPS, grp, accs)
    b6 = jnp.minimum(r6 + FULL_GROUPS * 96, GW - 6)
    b3 = jnp.minimum(r3 + FULL_GROUPS * 48, VW - 3)
    lane_ok = rowi < REM
    return _accum_group(gbuf, vbuf, accs, b6, b3, lane_ok)


def _sc_body(gen_hbm, vals_hbm, out_hbm, gb0, gb1, vb0, vb1, ob,
             sg0, sg1, sv0, sv1):
    wid = lax.axis_index("s") * 2 + lax.axis_index("c")
    gbase = wid * (PER * 6)
    vbase = wid * (PER * 3)
    gbufs = (gb0, gb1)
    vbufs = (vb0, vb1)
    gsems = (sg0, sg1)
    vsems = (sv0, sv1)

    def gsrc(s):
        return gen_hbm.at[pl.ds(gbase + s * GW, GW)]

    def vsrc(s):
        return vals_hbm.at[pl.ds(vbase + s * VW, VW)]

    def start(s, b):
        pltpu.async_copy(gsrc(s), gbufs[b], gsems[b])
        pltpu.async_copy(vsrc(s), vbufs[b], vsems[b])

    def wait(s, b):
        pltpu.make_async_copy(gsrc(s), gbufs[b], gsems[b]).wait()
        pltpu.make_async_copy(vsrc(s), vbufs[b], vsems[b]).wait()

    accs = tuple(jnp.zeros((16,), jnp.float32) for _ in range(15))
    start(0, 0)

    def two_steps(i, accs):
        s0 = 2 * i
        start(s0 + 1, 1)
        wait(s0, 0)
        accs = _process_chunk(gb0, vb0, accs)
        start(s0 + 2, 0)
        wait(s0 + 1, 1)
        accs = _process_chunk(gb1, vb1, accs)
        return accs

    accs = lax.fori_loop(0, (STEPS - 1) // 2, two_steps, accs)
    wait(STEPS - 1, 0)
    accs = _process_chunk(gb0, vb0, accs)

    for i in range(15):
        ob[i] = accs[i]
    pltpu.sync_copy(ob, out_hbm.at[wid])


@jax.jit
def _sc_partials(gen_flat, vals_flat):
    mesh = plsc.VectorSubcoreMesh(core_axis_name="c", subcore_axis_name="s")
    f = pl.kernel(
        _sc_body,
        mesh=mesh,
        compiler_params=pltpu.CompilerParams(needs_layout_passes=False),
        out_type=jax.ShapeDtypeStruct((NW, 15, 16), jnp.float32),
        scratch_types=[
            pltpu.VMEM((GW,), jnp.float32),
            pltpu.VMEM((GW,), jnp.float32),
            pltpu.VMEM((VW,), jnp.float32),
            pltpu.VMEM((VW,), jnp.float32),
            pltpu.VMEM((15, 16), jnp.float32),
            pltpu.SemaphoreType.DMA,
            pltpu.SemaphoreType.DMA,
            pltpu.SemaphoreType.DMA,
            pltpu.SemaphoreType.DMA,
        ],
    )
    return f(gen_flat, vals_flat)


def kernel(generated_outputs, vals):
    gen_flat = generated_outputs.reshape(-1)
    vals_flat = vals.reshape(-1)
    parts = _sc_partials(gen_flat, vals_flat)
    t = parts.sum(axis=(0, 2)).reshape(3, 5)
    bc_cnt = jnp.maximum(t[:, 2], 1.0)
    neg_cnt = jnp.maximum(t[:, 4], 1.0)
    loss = jnp.sum((t[:, 0] + t[:, 1]) / bc_cnt + t[:, 3] / neg_cnt)
    return loss

# --- scband reference (transcript-rebuilt; emitter-appended) ---
"""Pipeline reference for scband-bc-generator-28363964023441 (READ-ONLY COPY).

The authoritative reference and input builder live on the scoring server;
editing this copy changes nothing except your own understanding.
"""

import jax, jax.numpy as jnp
import numpy as np

N = 4000000


def setup_inputs(seed: int = 0) -> dict:
    key = jax.random.key(seed)
    k1, k2, k3 = jax.random.split(key, 3)
    generated_outputs = jax.random.normal(k1, (N, 3, 2), dtype=jnp.float32)
    vals = jax.random.normal(k2, (N, 3), dtype=jnp.float32)
    # vals is initialized to NaN everywhere and filled with boundary-condition
    # values only at BC points (cf. np.full(..., np.nan) in the original).
    non_bc = jax.random.uniform(k3, (N, 3)) < 0.7
    vals = jnp.where(non_bc, jnp.nan, vals)
    return {"generated_outputs": generated_outputs, "vals": vals}


def reference(generated_outputs, vals):
    # unstack along axis=2 -> BC_func, distance, each [N, 3]
    BC_func = generated_outputs[:, :, 0]
    distance = generated_outputs[:, :, 1]

    nan_mask = jnp.isnan(vals)            # non-BC points (vals unknown / NaN)
    bc_mask = jnp.logical_not(nan_mask)   # BC points (finite prescribed vals)
    bc_f = bc_mask.astype(jnp.float32)
    nbc_f = nan_mask.astype(jnp.float32)

    # per-component counts for masked means (gather -> masked mean)
    bc_cnt = jnp.maximum(jnp.sum(bc_f, axis=0), 1.0)

    # loss_BC_func = sum_i mean_{BC_i} (BC_func - vals)^2
    safe_vals = jnp.where(bc_mask, vals, 0.0)
    sq_diff = jnp.square(BC_func - safe_vals) * bc_f
    loss_BC_func = jnp.sum(jnp.sum(sq_diff, axis=0) / bc_cnt)

    # distance must vanish at BC points: sum_i mean_{BC_i} distance^2
    sq_bc_dist = jnp.square(distance) * bc_f
    loss_bc_dist = jnp.sum(jnp.sum(sq_bc_dist, axis=0) / bc_cnt)

    # distance must be non-negative at non-BC points: penalize negative part
    neg_f = (distance < 0.0).astype(jnp.float32) * nbc_f
    neg_cnt = jnp.maximum(jnp.sum(neg_f, axis=0), 1.0)
    sq_neg = jnp.square(distance) * neg_f
    loss_neg = jnp.sum(jnp.sum(sq_neg, axis=0) / neg_cnt)

    loss_distance = loss_bc_dist + loss_neg
    loss = loss_BC_func + loss_distance
    return loss

if __name__ == "__main__":
    import jax
    _d = setup_inputs()
    print(jax.jit(kernel)(*tuple(_d.values())))

</pallas_src>

<mosaic_0001>
#map = affine_map<(d0, d1) -> (0)>
#map1 = affine_map<(d0, d1) -> (0, 0, 0)>
module attributes {stable_mosaic.version = 14 : i64} {
  func.func @_sc_body(%arg0: i32, %arg1: i32, %arg2: memref<24000000xf32, #tpu.memory_space<hbm>>, %arg3: memref<12000000xf32, #tpu.memory_space<hbm>>, %arg4: memref<32x15x16xf32, #tpu.memory_space<hbm>>, %arg5: memref<30000xf32, #tpu.memory_space<vmem>>, %arg6: memref<30000xf32, #tpu.memory_space<vmem>>, %arg7: memref<15000xf32, #tpu.memory_space<vmem>>, %arg8: memref<15000xf32, #tpu.memory_space<vmem>>, %arg9: memref<15x16xf32, #tpu.memory_space<vmem>>, %arg10: memref<!tpu.dma_semaphore, #tpu.memory_space<semaphore_mem>>, %arg11: memref<!tpu.dma_semaphore, #tpu.memory_space<semaphore_mem>>, %arg12: memref<!tpu.dma_semaphore, #tpu.memory_space<semaphore_mem>>, %arg13: memref<!tpu.dma_semaphore, #tpu.memory_space<semaphore_mem>>) attributes {dimension_semantics = [#tpu.dimension_semantics<core_parallel>, #tpu.dimension_semantics<subcore_parallel>], iteration_bounds = array<i64: 2, 16>, scalar_prefetch = 0 : i64, scratch_operands = 9 : i64, tpu.core_type = #tpu.core_type<sc_vector_subcore>, window_params = [{transform_indices = #map}, {transform_indices = #map}, {transform_indices = #map1}]} {
    %mul3A = arith.constant 2 : i32
    %mul3A_0 = arith.muli %arg1, %mul3A : i32
    %add3A = arith.addi %mul3A_0, %arg0 : i32
    %mul3A_1 = arith.constant 750000 : i32
    %mul3A_2 = arith.muli %add3A, %mul3A_1 : i32
    %mul3A_3 = arith.constant 375000 : i32
    %mul3A_4 = arith.muli %add3A, %mul3A_3 : i32
    %broadcast_in_dim3A = arith.constant 0.000000e+00 : f32
    %broadcast_in_dim3A_5 = vector.broadcast %broadcast_in_dim3A : f32 to vector<16xf32>
    %broadcast_in_dim3A_6 = arith.constant 0.000000e+00 : f32
    %broadcast_in_dim3A_7 = vector.broadcast %broadcast_in_dim3A_6 : f32 to vector<16xf32>
    %broadcast_in_dim3A_8 = arith.constant 0.000000e+00 : f32
    %broadcast_in_dim3A_9 = vector.broadcast %broadcast_in_dim3A_8 : f32 to vector<16xf32>
    %broadcast_in_dim3A_10 = arith.constant 0.000000e+00 : f32
    %broadcast_in_dim3A_11 = vector.broadcast %broadcast_in_dim3A_10 : f32 to vector<16xf32>
    %broadcast_in_dim3A_12 = arith.constant 0.000000e+00 : f32
    %broadcast_in_dim3A_13 = vector.broadcast %broadcast_in_dim3A_12 : f32 to vector<16xf32>
    %broadcast_in_dim3A_14 = arith.constant 0.000000e+00 : f32
    %broadcast_in_dim3A_15 = vector.broadcast %broadcast_in_dim3A_14 : f32 to vector<16xf32>
    %broadcast_in_dim3A_16 = arith.constant 0.000000e+00 : f32
    %broadcast_in_dim3A_17 = vector.broadcast %broadcast_in_dim3A_16 : f32 to vector<16xf32>
    %broadcast_in_dim3A_18 = arith.constant 0.000000e+00 : f32
    %broadcast_in_dim3A_19 = vector.broadcast %broadcast_in_dim3A_18 : f32 to vector<16xf32>
    %broadcast_in_dim3A_20 = arith.constant 0.000000e+00 : f32
    %broadcast_in_dim3A_21 = vector.broadcast %broadcast_in_dim3A_20 : f32 to vector<16xf32>
    %broadcast_in_dim3A_22 = arith.constant 0.000000e+00 : f32
    %broadcast_in_dim3A_23 = vector.broadcast %broadcast_in_dim3A_22 : f32 to vector<16xf32>
    %broadcast_in_dim3A_24 = arith.constant 0.000000e+00 : f32
    %broadcast_in_dim3A_25 = vector.broadcast %broadcast_in_dim3A_24 : f32 to vector<16xf32>
    %broadcast_in_dim3A_26 = arith.constant 0.000000e+00 : f32
    %broadcast_in_dim3A_27 = vector.broadcast %broadcast_in_dim3A_26 : f32 to vector<16xf32>
    %broadcast_in_dim3A_28 = arith.constant 0.000000e+00 : f32
    %broadcast_in_dim3A_29 = vector.broadcast %broadcast_in_dim3A_28 : f32 to vector<16xf32>
    %broadcast_in_dim3A_30 = arith.constant 0.000000e+00 : f32
    %broadcast_in_dim3A_31 = vector.broadcast %broadcast_in_dim3A_30 : f32 to vector<16xf32>
    %broadcast_in_dim3A_32 = arith.constant 0.000000e+00 : f32
    %broadcast_in_dim3A_33 = vector.broadcast %broadcast_in_dim3A_32 : f32 to vector<16xf32>
    %add3A_34 = arith.constant 0 : i32
    %add3A_35 = arith.addi %mul3A_2, %add3A_34 : i32
    %dma_start3A = tpu.memref_slice %arg2[%add3A_35] : memref<24000000xf32, #tpu.memory_space<hbm>> -> memref<30000xf32, #tpu.memory_space<hbm>>
    %dma_start3A_36 = tpu.memref_slice %arg2[%add3A_35] : memref<24000000xf32, #tpu.memory_space<hbm>> -> memref<30000xf32, #tpu.memory_space<hbm>>
    tpu.enqueue_dma source(%dma_start3A_36 : memref<30000xf32, #tpu.memory_space<hbm>>) target(%arg5 : memref<30000xf32, #tpu.memory_space<vmem>>) target_semaphore(%arg10 : memref<!tpu.dma_semaphore, #tpu.memory_space<semaphore_mem>>)
    %add3A_37 = arith.constant 0 : i32
    %add3A_38 = arith.addi %mul3A_4, %add3A_37 : i32
    %dma_start3A_39 = tpu.memref_slice %arg3[%add3A_38] : memref<12000000xf32, #tpu.memory_space<hbm>> -> memref<15000xf32, #tpu.memory_space<hbm>>
    %dma_start3A_40 = tpu.memref_slice %arg3[%add3A_38] : memref<12000000xf32, #tpu.memory_space<hbm>> -> memref<15000xf32, #tpu.memory_space<hbm>>
    tpu.enqueue_dma source(%dma_start3A_40 : memref<15000xf32, #tpu.memory_space<hbm>>) target(%arg7 : memref<15000xf32, #tpu.memory_space<vmem>>) target_semaphore(%arg12 : memref<!tpu.dma_semaphore, #tpu.memory_space<semaphore_mem>>)
    %scan3A = arith.constant 0 : i32
    %scan3A_41 = arith.constant 12 : i32
    %scan3A_42 = arith.addi %scan3A, %scan3A_41 : i32
    %scan3A_43 = arith.constant 1 : i32
    %scan3A_44:15 = scf.for %scan3A_274 = %scan3A to %scan3A_42 step %scan3A_43 iter_args(%scan3A_275 = %broadcast_in_dim3A_5, %scan3A_276 = %broadcast_in_dim3A_7, %scan3A_277 = %broadcast_in_dim3A_9, %scan3A_278 = %broadcast_in_dim3A_11, %scan3A_279 = %broadcast_in_dim3A_13, %scan3A_280 = %broadcast_in_dim3A_15, %scan3A_281 = %broadcast_in_dim3A_17, %scan3A_282 = %broadcast_in_dim3A_19, %scan3A_283 = %broadcast_in_dim3A_21, %scan3A_284 = %broadcast_in_dim3A_23, %scan3A_285 = %broadcast_in_dim3A_25, %scan3A_286 = %broadcast_in_dim3A_27, %scan3A_287 = %broadcast_in_dim3A_29, %scan3A_288 = %broadcast_in_dim3A_31, %scan3A_289 = %broadcast_in_dim3A_33) -> (vector<16xf32>, vector<16xf32>, vector<16xf32>, vector<16xf32>, vector<16xf32>, vector<16xf32>, vector<16xf32>, vector<16xf32>, vector<16xf32>, vector<16xf32>, vector<16xf32>, vector<16xf32>, vector<16xf32>, vector<16xf32>, vector<16xf32>)  : i32 {
      %mul3A_290 = arith.constant 2 : i32
      %mul3A_291 = arith.muli %mul3A_290, %scan3A_274 : i32
      %add3A_292 = arith.constant 1 : i32
      %add3A_293 = arith.addi %mul3A_291, %add3A_292 : i32
      %mul3A_294 = arith.constant 30000 : i32
      %mul3A_295 = arith.muli %add3A_293, %mul3A_294 : i32
      %add3A_296 = arith.addi %mul3A_2, %mul3A_295 : i32
      %dma_start3A_297 = tpu.memref_slice %arg2[%add3A_296] : memref<24000000xf32, #tpu.memory_space<hbm>> -> memref<30000xf32, #tpu.memory_space<hbm>>
      %dma_start3A_298 = tpu.memref_slice %arg2[%add3A_296] : memref<24000000xf32, #tpu.memory_space<hbm>> -> memref<30000xf32, #tpu.memory_space<hbm>>
      tpu.enqueue_dma source(%dma_start3A_298 : memref<30000xf32, #tpu.memory_space<hbm>>) target(%arg6 : memref<30000xf32, #tpu.memory_space<vmem>>) target_semaphore(%arg11 : memref<!tpu.dma_semaphore, #tpu.memory_space<semaphore_mem>>)
      %mul3A_299 = arith.constant 15000 : i32
      %mul3A_300 = arith.muli %add3A_293, %mul3A_299 : i32
      %add3A_301 = arith.addi %mul3A_4, %mul3A_300 : i32
      %dma_start3A_302 = tpu.memref_slice %arg3[%add3A_301] : memref<12000000xf32, #tpu.memory_space<hbm>> -> memref<15000xf32, #tpu.memory_space<hbm>>
      %dma_start3A_303 = tpu.memref_slice %arg3[%add3A_301] : memref<12000000xf32, #tpu.memory_space<hbm>> -> memref<15000xf32, #tpu.memory_space<hbm>>
      tpu.enqueue_dma source(%dma_start3A_303 : memref<15000xf32, #tpu.memory_space<hbm>>) target(%arg8 : memref<15000xf32, #tpu.memory_space<vmem>>) target_semaphore(%arg13 : memref<!tpu.dma_semaphore, #tpu.memory_space<semaphore_mem>>)
      %mul3A_304 = arith.constant 30000 : i32
      %mul3A_305 = arith.muli %mul3A_291, %mul3A_304 : i32
      %add3A_306 = arith.addi %mul3A_2, %mul3A_305 : i32
      %dma_wait3A_307 = tpu.memref_slice %arg2[%add3A_306] : memref<24000000xf32, #tpu.memory_space<hbm>> -> memref<30000xf32, #tpu.memory_space<hbm>>
      %dma_wait3A_308 = tpu.memref_slice %arg2[%add3A_306] : memref<24000000xf32, #tpu.memory_space<hbm>> -> memref<30000xf32, #tpu.memory_space<hbm>>
      tpu.wait_dma2 semaphore(%arg10 : memref<!tpu.dma_semaphore, #tpu.memory_space<semaphore_mem>>) src(%dma_wait3A_308 : memref<30000xf32, #tpu.memory_space<hbm>>) dst(%arg5 : memref<30000xf32, #tpu.memory_space<vmem>>)
      %mul3A_309 = arith.constant 15000 : i32
      %mul3A_310 = arith.muli %mul3A_291, %mul3A_309 : i32
      %add3A_311 = arith.addi %mul3A_4, %mul3A_310 : i32
      %dma_wait3A_312 = tpu.memref_slice %arg3[%add3A_311] : memref<12000000xf32, #tpu.memory_space<hbm>> -> memref<15000xf32, #tpu.memory_space<hbm>>
      %dma_wait3A_313 = tpu.memref_slice %arg3[%add3A_311] : memref<12000000xf32, #tpu.memory_space<hbm>> -> memref<15000xf32, #tpu.memory_space<hbm>>
      tpu.wait_dma2 semaphore(%arg12 : memref<!tpu.dma_semaphore, #tpu.memory_space<semaphore_mem>>) src(%dma_wait3A_313 : memref<15000xf32, #tpu.memory_space<hbm>>) dst(%arg7 : memref<15000xf32, #tpu.memory_space<vmem>>)
      %iota3A_314 = tpu.iota {dimensions = array<i32: 0>} : vector<16xi32>
      %mul3A_315 = arith.constant 6 : i32
      %mul3A_316 = vector.broadcast %mul3A_315 : i32 to vector<16xi32>
      %mul3A_317 = arith.muli %iota3A_314, %mul3A_316 : vector<16xi32>
      %mul3A_318 = arith.constant 3 : i32
      %mul3A_319 = vector.broadcast %mul3A_318 : i32 to vector<16xi32>
      %mul3A_320 = arith.muli %iota3A_314, %mul3A_319 : vector<16xi32>
      %scan3A_321 = arith.constant 0 : i32
      %scan3A_322 = arith.constant 312 : i32
      %scan3A_323 = arith.addi %scan3A_321, %scan3A_322 : i32
      %scan3A_324 = arith.constant 1 : i32
      %scan3A_325:15 = scf.for %scan3A_682 = %scan3A_321 to %scan3A_323 step %scan3A_324 iter_args(%scan3A_683 = %scan3A_275, %scan3A_684 = %scan3A_276, %scan3A_685 = %scan3A_277, %scan3A_686 = %scan3A_278, %scan3A_687 = %scan3A_279, %scan3A_688 = %scan3A_280, %scan3A_689 = %scan3A_281, %scan3A_690 = %scan3A_282, %scan3A_691 = %scan3A_283, %scan3A_692 = %scan3A_284, %scan3A_693 = %scan3A_285, %scan3A_694 = %scan3A_286, %scan3A_695 = %scan3A_287, %scan3A_696 = %scan3A_288, %scan3A_697 = %scan3A_289) -> (vector<16xf32>, vector<16xf32>, vector<16xf32>, vector<16xf32>, vector<16xf32>, vector<16xf32>, vector<16xf32>, vector<16xf32>, vector<16xf32>, vector<16xf32>, vector<16xf32>, vector<16xf32>, vector<16xf32>, vector<16xf32>, vector<16xf32>)  : i32 {
        %mul3A_698 = arith.constant 96 : i32
        %mul3A_699 = arith.muli %scan3A_682, %mul3A_698 : i32
        %add3A_700 = vector.broadcast %mul3A_699 : i32 to vector<16xi32>
        %add3A_701 = arith.addi %mul3A_317, %add3A_700 : vector<16xi32>
        %mul3A_702 = arith.constant 48 : i32
        %mul3A_703 = arith.muli %scan3A_682, %mul3A_702 : i32
        %add3A_704 = vector.broadcast %mul3A_703 : i32 to vector<16xi32>
        %add3A_705 = arith.addi %mul3A_320, %add3A_704 : vector<16xi32>
        %add3A_706 = arith.constant 0 : i32
        %add3A_707 = vector.broadcast %add3A_706 : i32 to vector<16xi32>
        %add3A_708 = arith.addi %add3A_701, %add3A_707 : vector<16xi32>
        %gather3A_709 = tpu.vector_load_idx %arg5[%add3A_708] : memref<30000xf32, #tpu.memory_space<vmem>>[vector<16xi32>], vector<16xf32>,
        %add3A_710 = arith.constant 1 : i32
        %add3A_711 = vector.broadcast %add3A_710 : i32 to vector<16xi32>
        %add3A_712 = arith.addi %add3A_701, %add3A_711 : vector<16xi32>
        %gather3A_713 = tpu.vector_load_idx %arg5[%add3A_712] : memref<30000xf32, #tpu.memory_space<vmem>>[vector<16xi32>], vector<16xf32>,
        %add3A_714 = arith.constant 0 : i32
        %add3A_715 = vector.broadcast %add3A_714 : i32 to vector<16xi32>
        %add3A_716 = arith.addi %add3A_705, %add3A_715 : vector<16xi32>
        %gather3A_717 = tpu.vector_load_idx %arg7[%add3A_716] : memref<15000xf32, #tpu.memory_space<vmem>>[vector<16xi32>], vector<16xf32>,
        %ne3A_718 = arith.cmpf one, %gather3A_717, %gather3A_717 : vector<16xf32>
        %not3A_719 = arith.constant dense<true> : vector<16xi1>
        %not3A_720 = arith.xori %ne3A_718, %not3A_719 : vector<16xi1>
        %lt3A_721 = arith.constant 0.000000e+00 : f32
        %lt3A_722 = vector.broadcast %lt3A_721 : f32 to vector<16xf32>
        %lt3A_723 = arith.cmpf olt, %gather3A_713, %lt3A_722 : vector<16xf32>
        %and3A_724 = arith.andi %lt3A_723, %ne3A_718 : vector<16xi1>
        %sub3A_725 = arith.subf %gather3A_709, %gather3A_717 : vector<16xf32>
        %mul3A_726 = arith.mulf %sub3A_725, %sub3A_725 : vector<16xf32>
        %mul3A_727 = arith.mulf %gather3A_713, %gather3A_713 : vector<16xf32>
        %jit3A_728 = arith.constant 0.000000e+00 : f32
        %broadcast_in_dim3A_729 = vector.broadcast %jit3A_728 : f32 to vector<16xf32>
        %select_n3A_730 = arith.select %not3A_720, %mul3A_726, %broadcast_in_dim3A_729 : vector<16xi1>, vector<16xf32>
        %add3A_731 = arith.addf %scan3A_683, %select_n3A_730 : vector<16xf32>
        %jit3A_732 = arith.constant 0.000000e+00 : f32
        %broadcast_in_dim3A_733 = vector.broadcast %jit3A_732 : f32 to vector<16xf32>
        %select_n3A_734 = arith.select %not3A_720, %mul3A_727, %broadcast_in_dim3A_733 : vector<16xi1>, vector<16xf32>
        %add3A_735 = arith.addf %scan3A_684, %select_n3A_734 : vector<16xf32>
        %jit3A_736 = arith.constant 1.000000e+00 : f32
        %jit3A_737 = arith.constant 0.000000e+00 : f32
        %broadcast_in_dim3A_738 = vector.broadcast %jit3A_736 : f32 to vector<16xf32>
        %broadcast_in_dim3A_739 = vector.broadcast %jit3A_737 : f32 to vector<16xf32>
        %select_n3A_740 = arith.select %not3A_720, %broadcast_in_dim3A_738, %broadcast_in_dim3A_739 : vector<16xi1>, vector<16xf32>
        %add3A_741 = arith.addf %scan3A_685, %select_n3A_740 : vector<16xf32>
        %jit3A_742 = arith.constant 0.000000e+00 : f32
        %broadcast_in_dim3A_743 = vector.broadcast %jit3A_742 : f32 to vector<16xf32>
        %select_n3A_744 = arith.select %and3A_724, %mul3A_727, %broadcast_in_dim3A_743 : vector<16xi1>, vector<16xf32>
        %add3A_745 = arith.addf %scan3A_686, %select_n3A_744 : vector<16xf32>
        %jit3A_746 = arith.constant 1.000000e+00 : f32
        %jit3A_747 = arith.constant 0.000000e+00 : f32
        %broadcast_in_dim3A_748 = vector.broadcast %jit3A_746 : f32 to vector<16xf32>
        %broadcast_in_dim3A_749 = vector.broadcast %jit3A_747 : f32 to vector<16xf32>
        %select_n3A_750 = arith.select %and3A_724, %broadcast_in_dim3A_748, %broadcast_in_dim3A_749 : vector<16xi1>, vector<16xf32>
        %add3A_751 = arith.addf %scan3A_687, %select_n3A_750 : vector<16xf32>
        %add3A_752 = arith.constant 2 : i32
        %add3A_753 = vector.broadcast %add3A_752 : i32 to vector<16xi32>
        %add3A_754 = arith.addi %add3A_701, %add3A_753 : vector<16xi32>
        %gather3A_755 = tpu.vector_load_idx %arg5[%add3A_754] : memref<30000xf32, #tpu.memory_space<vmem>>[vector<16xi32>], vector<16xf32>,
        %add3A_756 = arith.constant 3 : i32
        %add3A_757 = vector.broadcast %add3A_756 : i32 to vector<16xi32>
        %add3A_758 = arith.addi %add3A_701, %add3A_757 : vector<16xi32>
        %gather3A_759 = tpu.vector_load_idx %arg5[%add3A_758] : memref<30000xf32, #tpu.memory_space<vmem>>[vector<16xi32>], vector<16xf32>,
        %add3A_760 = arith.constant 1 : i32
        %add3A_761 = vector.broadcast %add3A_760 : i32 to vector<16xi32>
        %add3A_762 = arith.addi %add3A_705, %add3A_761 : vector<16xi32>
        %gather3A_763 = tpu.vector_load_idx %arg7[%add3A_762] : memref<15000xf32, #tpu.memory_space<vmem>>[vector<16xi32>], vector<16xf32>,
        %ne3A_764 = arith.cmpf one, %gather3A_763, %gather3A_763 : vector<16xf32>
        %not3A_765 = arith.constant dense<true> : vector<16xi1>
        %not3A_766 = arith.xori %ne3A_764, %not3A_765 : vector<16xi1>
        %lt3A_767 = arith.constant 0.000000e+00 : f32
        %lt3A_768 = vector.broadcast %lt3A_767 : f32 to vector<16xf32>
        %lt3A_769 = arith.cmpf olt, %gather3A_759, %lt3A_768 : vector<16xf32>
        %and3A_770 = arith.andi %lt3A_769, %ne3A_764 : vector<16xi1>
        %sub3A_771 = arith.subf %gather3A_755, %gather3A_763 : vector<16xf32>
        %mul3A_772 = arith.mulf %sub3A_771, %sub3A_771 : vector<16xf32>
        %mul3A_773 = arith.mulf %gather3A_759, %gather3A_759 : vector<16xf32>
        %jit3A_774 = arith.constant 0.000000e+00 : f32
        %broadcast_in_dim3A_775 = vector.broadcast %jit3A_774 : f32 to vector<16xf32>
        %select_n3A_776 = arith.select %not3A_766, %mul3A_772, %broadcast_in_dim3A_775 : vector<16xi1>, vector<16xf32>
        %add3A_777 = arith.addf %scan3A_688, %select_n3A_776 : vector<16xf32>
        %jit3A_778 = arith.constant 0.000000e+00 : f32
        %broadcast_in_dim3A_779 = vector.broadcast %jit3A_778 : f32 to vector<16xf32>
        %select_n3A_780 = arith.select %not3A_766, %mul3A_773, %broadcast_in_dim3A_779 : vector<16xi1>, vector<16xf32>
        %add3A_781 = arith.addf %scan3A_689, %select_n3A_780 : vector<16xf32>
        %jit3A_782 = arith.constant 1.000000e+00 : f32
        %jit3A_783 = arith.constant 0.000000e+00 : f32
        %broadcast_in_dim3A_784 = vector.broadcast %jit3A_782 : f32 to vector<16xf32>
        %broadcast_in_dim3A_785 = vector.broadcast %jit3A_783 : f32 to vector<16xf32>
        %select_n3A_786 = arith.select %not3A_766, %broadcast_in_dim3A_784, %broadcast_in_dim3A_785 : vector<16xi1>, vector<16xf32>
        %add3A_787 = arith.addf %scan3A_690, %select_n3A_786 : vector<16xf32>
        %jit3A_788 = arith.constant 0.000000e+00 : f32
        %broadcast_in_dim3A_789 = vector.broadcast %jit3A_788 : f32 to vector<16xf32>
        %select_n3A_790 = arith.select %and3A_770, %mul3A_773, %broadcast_in_dim3A_789 : vector<16xi1>, vector<16xf32>
        %add3A_791 = arith.addf %scan3A_691, %select_n3A_790 : vector<16xf32>
        %jit3A_792 = arith.constant 1.000000e+00 : f32
        %jit3A_793 = arith.constant 0.000000e+00 : f32
        %broadcast_in_dim3A_794 = vector.broadcast %jit3A_792 : f32 to vector<16xf32>
        %broadcast_in_dim3A_795 = vector.broadcast %jit3A_793 : f32 to vector<16xf32>
        %select_n3A_796 = arith.select %and3A_770, %broadcast_in_dim3A_794, %broadcast_in_dim3A_795 : vector<16xi1>, vector<16xf32>
        %add3A_797 = arith.addf %scan3A_692, %select_n3A_796 : vector<16xf32>
        %add3A_798 = arith.constant 4 : i32
        %add3A_799 = vector.broadcast %add3A_798 : i32 to vector<16xi32>
        %add3A_800 = arith.addi %add3A_701, %add3A_799 : vector<16xi32>
        %gather3A_801 = tpu.vector_load_idx %arg5[%add3A_800] : memref<30000xf32, #tpu.memory_space<vmem>>[vector<16xi32>], vector<16xf32>,
        %add3A_802 = arith.constant 5 : i32
        %add3A_803 = vector.broadcast %add3A_802 : i32 to vector<16xi32>
        %add3A_804 = arith.addi %add3A_701, %add3A_803 : vector<16xi32>
        %gather3A_805 = tpu.vector_load_idx %arg5[%add3A_804] : memref<30000xf32, #tpu.memory_space<vmem>>[vector<16xi32>], vector<16xf32>,
        %add3A_806 = arith.constant 2 : i32
        %add3A_807 = vector.broadcast %add3A_806 : i32 to vector<16xi32>
        %add3A_808 = arith.addi %add3A_705, %add3A_807 : vector<16xi32>
        %gather3A_809 = tpu.vector_load_idx %arg7[%add3A_808] : memref<15000xf32, #tpu.memory_space<vmem>>[vector<16xi32>], vector<16xf32>,
        %ne3A_810 = arith.cmpf one, %gather3A_809, %gather3A_809 : vector<16xf32>
        %not3A_811 = arith.constant dense<true> : vector<16xi1>
        %not3A_812 = arith.xori %ne3A_810, %not3A_811 : vector<16xi1>
        %lt3A_813 = arith.constant 0.000000e+00 : f32
        %lt3A_814 = vector.broadcast %lt3A_813 : f32 to vector<16xf32>
        %lt3A_815 = arith.cmpf olt, %gather3A_805, %lt3A_814 : vector<16xf32>
        %and3A_816 = arith.andi %lt3A_815, %ne3A_810 : vector<16xi1>
        %sub3A_817 = arith.subf %gather3A_801, %gather3A_809 : vector<16xf32>
        %mul3A_818 = arith.mulf %sub3A_817, %sub3A_817 : vector<16xf32>
        %mul3A_819 = arith.mulf %gather3A_805, %gather3A_805 : vector<16xf32>
        %jit3A_820 = arith.constant 0.000000e+00 : f32
        %broadcast_in_dim3A_821 = vector.broadcast %jit3A_820 : f32 to vector<16xf32>
        %select_n3A_822 = arith.select %not3A_812, %mul3A_818, %broadcast_in_dim3A_821 : vector<16xi1>, vector<16xf32>
        %add3A_823 = arith.addf %scan3A_693, %select_n3A_822 : vector<16xf32>
        %jit3A_824 = arith.constant 0.000000e+00 : f32
        %broadcast_in_dim3A_825 = vector.broadcast %jit3A_824 : f32 to vector<16xf32>
        %select_n3A_826 = arith.select %not3A_812, %mul3A_819, %broadcast_in_dim3A_825 : vector<16xi1>, vector<16xf32>
        %add3A_827 = arith.addf %scan3A_694, %select_n3A_826 : vector<16xf32>
        %jit3A_828 = arith.constant 1.000000e+00 : f32
        %jit3A_829 = arith.constant 0.000000e+00 : f32
        %broadcast_in_dim3A_830 = vector.broadcast %jit3A_828 : f32 to vector<16xf32>
        %broadcast_in_dim3A_831 = vector.broadcast %jit3A_829 : f32 to vector<16xf32>
        %select_n3A_832 = arith.select %not3A_812, %broadcast_in_dim3A_830, %broadcast_in_dim3A_831 : vector<16xi1>, vector<16xf32>
        %add3A_833 = arith.addf %scan3A_695, %select_n3A_832 : vector<16xf32>
        %jit3A_834 = arith.constant 0.000000e+00 : f32
        %broadcast_in_dim3A_835 = vector.broadcast %jit3A_834 : f32 to vector<16xf32>
        %select_n3A_836 = arith.select %and3A_816, %mul3A_819, %broadcast_in_dim3A_835 : vector<16xi1>, vector<16xf32>
        %add3A_837 = arith.addf %scan3A_696, %select_n3A_836 : vector<16xf32>
        %jit3A_838 = arith.constant 1.000000e+00 : f32
        %jit3A_839 = arith.constant 0.000000e+00 : f32
        %broadcast_in_dim3A_840 = vector.broadcast %jit3A_838 : f32 to vector<16xf32>
        %broadcast_in_dim3A_841 = vector.broadcast %jit3A_839 : f32 to vector<16xf32>
        %select_n3A_842 = arith.select %and3A_816, %broadcast_in_dim3A_840, %broadcast_in_dim3A_841 : vector<16xi1>, vector<16xf32>
        %add3A_843 = arith.addf %scan3A_697, %select_n3A_842 : vector<16xf32>
        scf.yield %add3A_731, %add3A_735, %add3A_741, %add3A_745, %add3A_751, %add3A_777, %add3A_781, %add3A_787, %add3A_791, %add3A_797, %add3A_823, %add3A_827, %add3A_833, %add3A_837, %add3A_843 : vector<16xf32>, vector<16xf32>, vector<16xf32>, vector<16xf32>, vector<16xf32>, vector<16xf32>, vector<16xf32>, vector<16xf32>, vector<16xf32>, vector<16xf32>, vector<16xf32>, vector<16xf32>, vector<16xf32>, vector<16xf32>, vector<16xf32>
      }
      %scan3A_326 = arith.constant 312 : i32
      %add3A_327 = arith.constant 29952 : i32
      %add3A_328 = vector.broadcast %add3A_327 : i32 to vector<16xi32>
      %add3A_329 = arith.addi %mul3A_317, %add3A_328 : vector<16xi32>
      %min3A_330 = arith.constant 29994 : i32
      %min3A_331 = vector.broadcast %min3A_330 : i32 to vector<16xi32>
      %min3A_332 = arith.minsi %add3A_329, %min3A_331 : vector<16xi32>
      %add3A_333 = arith.constant 14976 : i32
      %add3A_334 = vector.broadcast %add3A_333 : i32 to vector<16xi32>
      %add3A_335 = arith.addi %mul3A_320, %add3A_334 : vector<16xi32>
      %min3A_336 = arith.constant 14997 : i32
      %min3A_337 = vector.broadcast %min3A_336 : i32 to vector<16xi32>
      %min3A_338 = arith.minsi %add3A_335, %min3A_337 : vector<16xi32>
      %lt3A_339 = arith.constant 8 : i32
      %lt3A_340 = vector.broadcast %lt3A_339 : i32 to vector<16xi32>
      %lt3A_341 = arith.cmpi slt, %iota3A_314, %lt3A_340 : vector<16xi32>
      %add3A_342 = arith.constant 0 : i32
      %add3A_343 = vector.broadcast %add3A_342 : i32 to vector<16xi32>
      %add3A_344 = arith.addi %min3A_332, %add3A_343 : vector<16xi32>
      %gather3A_345 = tpu.vector_load_idx %arg5[%add3A_344] : memref<30000xf32, #tpu.memory_space<vmem>>[vector<16xi32>], vector<16xf32>,
      %add3A_346 = arith.constant 1 : i32
      %add3A_347 = vector.broadcast %add3A_346 : i32 to vector<16xi32>
      %add3A_348 = arith.addi %min3A_332, %add3A_347 : vector<16xi32>
      %gather3A_349 = tpu.vector_load_idx %arg5[%add3A_348] : memref<30000xf32, #tpu.memory_space<vmem>>[vector<16xi32>], vector<16xf32>,
      %add3A_350 = arith.constant 0 : i32
      %add3A_351 = vector.broadcast %add3A_350 : i32 to vector<16xi32>
      %add3A_352 = arith.addi %min3A_338, %add3A_351 : vector<16xi32>
      %gather3A_353 = tpu.vector_load_idx %arg7[%add3A_352] : memref<15000xf32, #tpu.memory_space<vmem>>[vector<16xi32>], vector<16xf32>,
      %ne3A_354 = arith.cmpf one, %gather3A_353, %gather3A_353 : vector<16xf32>
      %not3A_355 = arith.constant dense<true> : vector<16xi1>
      %not3A_356 = arith.xori %ne3A_354, %not3A_355 : vector<16xi1>
      %and3A_357 = arith.andi %not3A_356, %lt3A_341 : vector<16xi1>
      %and3A_358 = arith.andi %ne3A_354, %lt3A_341 : vector<16xi1>
      %lt3A_359 = arith.constant 0.000000e+00 : f32
      %lt3A_360 = vector.broadcast %lt3A_359 : f32 to vector<16xf32>
      %lt3A_361 = arith.cmpf olt, %gather3A_349, %lt3A_360 : vector<16xf32>
      %and3A_362 = arith.andi %lt3A_361, %and3A_358 : vector<16xi1>
      %sub3A_363 = arith.subf %gather3A_345, %gather3A_353 : vector<16xf32>
      %mul3A_364 = arith.mulf %sub3A_363, %sub3A_363 : vector<16xf32>
      %mul3A_365 = arith.mulf %gather3A_349, %gather3A_349 : vector<16xf32>
      %jit3A_366 = arith.constant 0.000000e+00 : f32
      %broadcast_in_dim3A_367 = vector.broadcast %jit3A_366 : f32 to vector<16xf32>
      %select_n3A_368 = arith.select %and3A_357, %mul3A_364, %broadcast_in_dim3A_367 : vector<16xi1>, vector<16xf32>
      %add3A_369 = arith.addf %scan3A_325#0, %select_n3A_368 : vector<16xf32>
      %jit3A_370 = arith.constant 0.000000e+00 : f32
      %broadcast_in_dim3A_371 = vector.broadcast %jit3A_370 : f32 to vector<16xf32>
      %select_n3A_372 = arith.select %and3A_357, %mul3A_365, %broadcast_in_dim3A_371 : vector<16xi1>, vector<16xf32>
      %add3A_373 = arith.addf %scan3A_325#1, %select_n3A_372 : vector<16xf32>
      %jit3A_374 = arith.constant 1.000000e+00 : f32
      %jit3A_375 = arith.constant 0.000000e+00 : f32
      %broadcast_in_dim3A_376 = vector.broadcast %jit3A_374 : f32 to vector<16xf32>
      %broadcast_in_dim3A_377 = vector.broadcast %jit3A_375 : f32 to vector<16xf32>
      %select_n3A_378 = arith.select %and3A_357, %broadcast_in_dim3A_376, %broadcast_in_dim3A_377 : vector<16xi1>, vector<16xf32>
      %add3A_379 = arith.addf %scan3A_325#2, %select_n3A_378 : vector<16xf32>
      %jit3A_380 = arith.constant 0.000000e+00 : f32
      %broadcast_in_dim3A_381 = vector.broadcast %jit3A_380 : f32 to vector<16xf32>
      %select_n3A_382 = arith.select %and3A_362, %mul3A_365, %broadcast_in_dim3A_381 : vector<16xi1>, vector<16xf32>
      %add3A_383 = arith.addf %scan3A_325#3, %select_n3A_382 : vector<16xf32>
      %jit3A_384 = arith.constant 1.000000e+00 : f32
      %jit3A_385 = arith.constant 0.000000e+00 : f32
      %broadcast_in_dim3A_386 = vector.broadcast %jit3A_384 : f32 to vector<16xf32>
      %broadcast_in_dim3A_387 = vector.broadcast %jit3A_385 : f32 to vector<16xf32>
      %select_n3A_388 = arith.select %and3A_362, %broadcast_in_dim3A_386, %broadcast_in_dim3A_387 : vector<16xi1>, vector<16xf32>
      %add3A_389 = arith.addf %scan3A_325#4, %select_n3A_388 : vector<16xf32>
      %add3A_390 = arith.constant 2 : i32
      %add3A_391 = vector.broadcast %add3A_390 : i32 to vector<16xi32>
      %add3A_392 = arith.addi %min3A_332, %add3A_391 : vector<16xi32>
      %gather3A_393 = tpu.vector_load_idx %arg5[%add3A_392] : memref<30000xf32, #tpu.memory_space<vmem>>[vector<16xi32>], vector<16xf32>,
      %add3A_394 = arith.constant 3 : i32
      %add3A_395 = vector.broadcast %add3A_394 : i32 to vector<16xi32>
      %add3A_396 = arith.addi %min3A_332, %add3A_395 : vector<16xi32>
      %gather3A_397 = tpu.vector_load_idx %arg5[%add3A_396] : memref<30000xf32, #tpu.memory_space<vmem>>[vector<16xi32>], vector<16xf32>,
      %add3A_398 = arith.constant 1 : i32
      %add3A_399 = vector.broadcast %add3A_398 : i32 to vector<16xi32>
      %add3A_400 = arith.addi %min3A_338, %add3A_399 : vector<16xi32>
      %gather3A_401 = tpu.vector_load_idx %arg7[%add3A_400] : memref<15000xf32, #tpu.memory_space<vmem>>[vector<16xi32>], vector<16xf32>,
      %ne3A_402 = arith.cmpf one, %gather3A_401, %gather3A_401 : vector<16xf32>
      %not3A_403 = arith.constant dense<true> : vector<16xi1>
      %not3A_404 = arith.xori %ne3A_402, %not3A_403 : vector<16xi1>
      %and3A_405 = arith.andi %not3A_404, %lt3A_341 : vector<16xi1>
      %and3A_406 = arith.andi %ne3A_402, %lt3A_341 : vector<16xi1>
      %lt3A_407 = arith.constant 0.000000e+00 : f32
      %lt3A_408 = vector.broadcast %lt3A_407 : f32 to vector<16xf32>
      %lt3A_409 = arith.cmpf olt, %gather3A_397, %lt3A_408 : vector<16xf32>
      %and3A_410 = arith.andi %lt3A_409, %and3A_406 : vector<16xi1>
      %sub3A_411 = arith.subf %gather3A_393, %gather3A_401 : vector<16xf32>
      %mul3A_412 = arith.mulf %sub3A_411, %sub3A_411 : vector<16xf32>
      %mul3A_413 = arith.mulf %gather3A_397, %gather3A_397 : vector<16xf32>
      %jit3A_414 = arith.constant 0.000000e+00 : f32
      %broadcast_in_dim3A_415 = vector.broadcast %jit3A_414 : f32 to vector<16xf32>
      %select_n3A_416 = arith.select %and3A_405, %mul3A_412, %broadcast_in_dim3A_415 : vector<16xi1>, vector<16xf32>
      %add3A_417 = arith.addf %scan3A_325#5, %select_n3A_416 : vector<16xf32>
      %jit3A_418 = arith.constant 0.000000e+00 : f32
      %broadcast_in_dim3A_419 = vector.broadcast %jit3A_418 : f32 to vector<16xf32>
      %select_n3A_420 = arith.select %and3A_405, %mul3A_413, %broadcast_in_dim3A_419 : vector<16xi1>, vector<16xf32>
      %add3A_421 = arith.addf %scan3A_325#6, %select_n3A_420 : vector<16xf32>
      %jit3A_422 = arith.constant 1.000000e+00 : f32
      %jit3A_423 = arith.constant 0.000000e+00 : f32
      %broadcast_in_dim3A_424 = vector.broadcast %jit3A_422 : f32 to vector<16xf32>
      %broadcast_in_dim3A_425 = vector.broadcast %jit3A_423 : f32 to vector<16xf32>
      %select_n3A_426 = arith.select %and3A_405, %broadcast_in_dim3A_424, %broadcast_in_dim3A_425 : vector<16xi1>, vector<16xf32>
      %add3A_427 = arith.addf %scan3A_325#7, %select_n3A_426 : vector<16xf32>
      %jit3A_428 = arith.constant 0.000000e+00 : f32
      %broadcast_in_dim3A_429 = vector.broadcast %jit3A_428 : f32 to vector<16xf32>
      %select_n3A_430 = arith.select %and3A_410, %mul3A_413, %broadcast_in_dim3A_429 : vector<16xi1>, vector<16xf32>
      %add3A_431 = arith.addf %scan3A_325#8, %select_n3A_430 : vector<16xf32>
      %jit3A_432 = arith.constant 1.000000e+00 : f32
      %jit3A_433 = arith.constant 0.000000e+00 : f32
      %broadcast_in_dim3A_434 = vector.broadcast %jit3A_432 : f32 to vector<16xf32>
      %broadcast_in_dim3A_435 = vector.broadcast %jit3A_433 : f32 to vector<16xf32>
      %select_n3A_436 = arith.select %and3A_410, %broadcast_in_dim3A_434, %broadcast_in_dim3A_435 : vector<16xi1>, vector<16xf32>
      %add3A_437 = arith.addf %scan3A_325#9, %select_n3A_436 : vector<16xf32>
      %add3A_438 = arith.constant 4 : i32
      %add3A_439 = vector.broadcast %add3A_438 : i32 to vector<16xi32>
      %add3A_440 = arith.addi %min3A_332, %add3A_439 : vector<16xi32>
      %gather3A_441 = tpu.vector_load_idx %arg5[%add3A_440] : memref<30000xf32, #tpu.memory_space<vmem>>[vector<16xi32>], vector<16xf32>,
      %add3A_442 = arith.constant 5 : i32
      %add3A_443 = vector.broadcast %add3A_442 : i32 to vector<16xi32>
      %add3A_444 = arith.addi %min3A_332, %add3A_443 : vector<16xi32>
      %gather3A_445 = tpu.vector_load_idx %arg5[%add3A_444] : memref<30000xf32, #tpu.memory_space<vmem>>[vector<16xi32>], vector<16xf32>,
      %add3A_446 = arith.constant 2 : i32
      %add3A_447 = vector.broadcast %add3A_446 : i32 to vector<16xi32>
      %add3A_448 = arith.addi %min3A_338, %add3A_447 : vector<16xi32>
      %gather3A_449 = tpu.vector_load_idx %arg7[%add3A_448] : memref<15000xf32, #tpu.memory_space<vmem>>[vector<16xi32>], vector<16xf32>,
      %ne3A_450 = arith.cmpf one, %gather3A_449, %gather3A_449 : vector<16xf32>
      %not3A_451 = arith.constant dense<true> : vector<16xi1>
      %not3A_452 = arith.xori %ne3A_450, %not3A_451 : vector<16xi1>
      %and3A_453 = arith.andi %not3A_452, %lt3A_341 : vector<16xi1>
      %and3A_454 = arith.andi %ne3A_450, %lt3A_341 : vector<16xi1>
      %lt3A_455 = arith.constant 0.000000e+00 : f32
      %lt3A_456 = vector.broadcast %lt3A_455 : f32 to vector<16xf32>
      %lt3A_457 = arith.cmpf olt, %gather3A_445, %lt3A_456 : vector<16xf32>
      %and3A_458 = arith.andi %lt3A_457, %and3A_454 : vector<16xi1>
      %sub3A_459 = arith.subf %gather3A_441, %gather3A_449 : vector<16xf32>
      %mul3A_460 = arith.mulf %sub3A_459, %sub3A_459 : vector<16xf32>
      %mul3A_461 = arith.mulf %gather3A_445, %gather3A_445 : vector<16xf32>
      %jit3A_462 = arith.constant 0.000000e+00 : f32
      %broadcast_in_dim3A_463 = vector.broadcast %jit3A_462 : f32 to vector<16xf32>
      %select_n3A_464 = arith.select %and3A_453, %mul3A_460, %broadcast_in_dim3A_463 : vector<16xi1>, vector<16xf32>
      %add3A_465 = arith.addf %scan3A_325#10, %select_n3A_464 : vector<16xf32>
      %jit3A_466 = arith.constant 0.000000e+00 : f32
      %broadcast_in_dim3A_467 = vector.broadcast %jit3A_466 : f32 to vector<16xf32>
      %select_n3A_468 = arith.select %and3A_453, %mul3A_461, %broadcast_in_dim3A_467 : vector<16xi1>, vector<16xf32>
      %add3A_469 = arith.addf %scan3A_325#11, %select_n3A_468 : vector<16xf32>
      %jit3A_470 = arith.constant 1.000000e+00 : f32
      %jit3A_471 = arith.constant 0.000000e+00 : f32
      %broadcast_in_dim3A_472 = vector.broadcast %jit3A_470 : f32 to vector<16xf32>
      %broadcast_in_dim3A_473 = vector.broadcast %jit3A_471 : f32 to vector<16xf32>
      %select_n3A_474 = arith.select %and3A_453, %broadcast_in_dim3A_472, %broadcast_in_dim3A_473 : vector<16xi1>, vector<16xf32>
      %add3A_475 = arith.addf %scan3A_325#12, %select_n3A_474 : vector<16xf32>
      %jit3A_476 = arith.constant 0.000000e+00 : f32
      %broadcast_in_dim3A_477 = vector.broadcast %jit3A_476 : f32 to vector<16xf32>
      %select_n3A_478 = arith.select %and3A_458, %mul3A_461, %broadcast_in_dim3A_477 : vector<16xi1>, vector<16xf32>
      %add3A_479 = arith.addf %scan3A_325#13, %select_n3A_478 : vector<16xf32>
      %jit3A_480 = arith.constant 1.000000e+00 : f32
      %jit3A_481 = arith.constant 0.000000e+00 : f32
      %broadcast_in_dim3A_482 = vector.broadcast %jit3A_480 : f32 to vector<16xf32>
      %broadcast_in_dim3A_483 = vector.broadcast %jit3A_481 : f32 to vector<16xf32>
      %select_n3A_484 = arith.select %and3A_458, %broadcast_in_dim3A_482, %broadcast_in_dim3A_483 : vector<16xi1>, vector<16xf32>
      %add3A_485 = arith.addf %scan3A_325#14, %select_n3A_484 : vector<16xf32>
      %add3A_486 = arith.constant 2 : i32
      %add3A_487 = arith.addi %mul3A_291, %add3A_486 : i32
      %mul3A_488 = arith.constant 30000 : i32
      %mul3A_489 = arith.muli %add3A_487, %mul3A_488 : i32
      %add3A_490 = arith.addi %mul3A_2, %mul3A_489 : i32
      %dma_start3A_491 = tpu.memref_slice %arg2[%add3A_490] : memref<24000000xf32, #tpu.memory_space<hbm>> -> memref<30000xf32, #tpu.memory_space<hbm>>
      %dma_start3A_492 = tpu.memref_slice %arg2[%add3A_490] : memref<24000000xf32, #tpu.memory_space<hbm>> -> memref<30000xf32, #tpu.memory_space<hbm>>
      tpu.enqueue_dma source(%dma_start3A_492 : memref<30000xf32, #tpu.memory_space<hbm>>) target(%arg5 : memref<30000xf32, #tpu.memory_space<vmem>>) target_semaphore(%arg10 : memref<!tpu.dma_semaphore, #tpu.memory_space<semaphore_mem>>)
      %mul3A_493 = arith.constant 15000 : i32
      %mul3A_494 = arith.muli %add3A_487, %mul3A_493 : i32
      %add3A_495 = arith.addi %mul3A_4, %mul3A_494 : i32
      %dma_start3A_496 = tpu.memref_slice %arg3[%add3A_495] : memref<12000000xf32, #tpu.memory_space<hbm>> -> memref<15000xf32, #tpu.memory_space<hbm>>
      %dma_start3A_497 = tpu.memref_slice %arg3[%add3A_495] : memref<12000000xf32, #tpu.memory_space<hbm>> -> memref<15000xf32, #tpu.memory_space<hbm>>
      tpu.enqueue_dma source(%dma_start3A_497 : memref<15000xf32, #tpu.memory_space<hbm>>) target(%arg7 : memref<15000xf32, #tpu.memory_space<vmem>>) target_semaphore(%arg12 : memref<!tpu.dma_semaphore, #tpu.memory_space<semaphore_mem>>)
      %add3A_498 = arith.constant 1 : i32
      %add3A_499 = arith.addi %mul3A_291, %add3A_498 : i32
      %mul3A_500 = arith.constant 30000 : i32
      %mul3A_501 = arith.muli %add3A_499, %mul3A_500 : i32
      %add3A_502 = arith.addi %mul3A_2, %mul3A_501 : i32
      %dma_wait3A_503 = tpu.memref_slice %arg2[%add3A_502] : memref<24000000xf32, #tpu.memory_space<hbm>> -> memref<30000xf32, #tpu.memory_space<hbm>>
      %dma_wait3A_504 = tpu.memref_slice %arg2[%add3A_502] : memref<24000000xf32, #tpu.memory_space<hbm>> -> memref<30000xf32, #tpu.memory_space<hbm>>
      tpu.wait_dma2 semaphore(%arg11 : memref<!tpu.dma_semaphore, #tpu.memory_space<semaphore_mem>>) src(%dma_wait3A_504 : memref<30000xf32, #tpu.memory_space<hbm>>) dst(%arg6 : memref<30000xf32, #tpu.memory_space<vmem>>)
      %mul3A_505 = arith.constant 15000 : i32
      %mul3A_506 = arith.muli %add3A_499, %mul3A_505 : i32
      %add3A_507 = arith.addi %mul3A_4, %mul3A_506 : i32
      %dma_wait3A_508 = tpu.memref_slice %arg3[%add3A_507] : memref<12000000xf32, #tpu.memory_space<hbm>> -> memref<15000xf32, #tpu.memory_space<hbm>>
      %dma_wait3A_509 = tpu.memref_slice %arg3[%add3A_507] : memref<12000000xf32, #tpu.memory_space<hbm>> -> memref<15000xf32, #tpu.memory_space<hbm>>
      tpu.wait_dma2 semaphore(%arg13 : memref<!tpu.dma_semaphore, #tpu.memory_space<semaphore_mem>>) src(%dma_wait3A_509 : memref<15000xf32, #tpu.memory_space<hbm>>) dst(%arg8 : memref<15000xf32, #tpu.memory_space<vmem>>)
      %iota3A_510 = tpu.iota {dimensions = array<i32: 0>} : vector<16xi32>
      %mul3A_511 = arith.constant 6 : i32
      %mul3A_512 = vector.broadcast %mul3A_511 : i32 to vector<16xi32>
      %mul3A_513 = arith.muli %iota3A_510, %mul3A_512 : vector<16xi32>
      %mul3A_514 = arith.constant 3 : i32
      %mul3A_515 = vector.broadcast %mul3A_514 : i32 to vector<16xi32>
      %mul3A_516 = arith.muli %iota3A_510, %mul3A_515 : vector<16xi32>
      %scan3A_517 = arith.constant 0 : i32
      %scan3A_518 = arith.constant 312 : i32
      %scan3A_519 = arith.addi %scan3A_517, %scan3A_518 : i32
      %scan3A_520 = arith.constant 1 : i32
      %scan3A_521:15 = scf.for %scan3A_682 = %scan3A_517 to %scan3A_519 step %scan3A_520 iter_args(%scan3A_683 = %add3A_369, %scan3A_684 = %add3A_373, %scan3A_685 = %add3A_379, %scan3A_686 = %add3A_383, %scan3A_687 = %add3A_389, %scan3A_688 = %add3A_417, %scan3A_689 = %add3A_421, %scan3A_690 = %add3A_427, %scan3A_691 = %add3A_431, %scan3A_692 = %add3A_437, %scan3A_693 = %add3A_465, %scan3A_694 = %add3A_469, %scan3A_695 = %add3A_475, %scan3A_696 = %add3A_479, %scan3A_697 = %add3A_485) -> (vector<16xf32>, vector<16xf32>, vector<16xf32>, vector<16xf32>, vector<16xf32>, vector<16xf32>, vector<16xf32>, vector<16xf32>, vector<16xf32>, vector<16xf32>, vector<16xf32>, vector<16xf32>, vector<16xf32>, vector<16xf32>, vector<16xf32>)  : i32 {
        %mul3A_698 = arith.constant 96 : i32
        %mul3A_699 = arith.muli %scan3A_682, %mul3A_698 : i32
        %add3A_700 = vector.broadcast %mul3A_699 : i32 to vector<16xi32>
        %add3A_701 = arith.addi %mul3A_513, %add3A_700 : vector<16xi32>
        %mul3A_702 = arith.constant 48 : i32
        %mul3A_703 = arith.muli %scan3A_682, %mul3A_702 : i32
        %add3A_704 = vector.broadcast %mul3A_703 : i32 to vector<16xi32>
        %add3A_705 = arith.addi %mul3A_516, %add3A_704 : vector<16xi32>
        %add3A_706 = arith.constant 0 : i32
        %add3A_707 = vector.broadcast %add3A_706 : i32 to vector<16xi32>
        %add3A_708 = arith.addi %add3A_701, %add3A_707 : vector<16xi32>
        %gather3A_709 = tpu.vector_load_idx %arg6[%add3A_708] : memref<30000xf32, #tpu.memory_space<vmem>>[vector<16xi32>], vector<16xf32>,
        %add3A_710 = arith.constant 1 : i32
        %add3A_711 = vector.broadcast %add3A_710 : i32 to vector<16xi32>
        %add3A_712 = arith.addi %add3A_701, %add3A_711 : vector<16xi32>
        %gather3A_713 = tpu.vector_load_idx %arg6[%add3A_712] : memref<30000xf32, #tpu.memory_space<vmem>>[vector<16xi32>], vector<16xf32>,
        %add3A_714 = arith.constant 0 : i32
        %add3A_715 = vector.broadcast %add3A_714 : i32 to vector<16xi32>
        %add3A_716 = arith.addi %add3A_705, %add3A_715 : vector<16xi32>
        %gather3A_717 = tpu.vector_load_idx %arg8[%add3A_716] : memref<15000xf32, #tpu.memory_space<vmem>>[vector<16xi32>], vector<16xf32>,
        %ne3A_718 = arith.cmpf one, %gather3A_717, %gather3A_717 : vector<16xf32>
        %not3A_719 = arith.constant dense<true> : vector<16xi1>
        %not3A_720 = arith.xori %ne3A_718, %not3A_719 : vector<16xi1>
        %lt3A_721 = arith.constant 0.000000e+00 : f32
        %lt3A_722 = vector.broadcast %lt3A_721 : f32 to vector<16xf32>
        %lt3A_723 = arith.cmpf olt, %gather3A_713, %lt3A_722 : vector<16xf32>
        %and3A_724 = arith.andi %lt3A_723, %ne3A_718 : vector<16xi1>
        %sub3A_725 = arith.subf %gather3A_709, %gather3A_717 : vector<16xf32>
        %mul3A_726 = arith.mulf %sub3A_725, %sub3A_725 : vector<16xf32>
        %mul3A_727 = arith.mulf %gather3A_713, %gather3A_713 : vector<16xf32>
        %jit3A_728 = arith.constant 0.000000e+00 : f32
        %broadcast_in_dim3A_729 = vector.broadcast %jit3A_728 : f32 to vector<16xf32>
        %select_n3A_730 = arith.select %not3A_720, %mul3A_726, %broadcast_in_dim3A_729 : vector<16xi1>, vector<16xf32>
        %add3A_731 = arith.addf %scan3A_683, %select_n3A_730 : vector<16xf32>
        %jit3A_732 = arith.constant 0.000000e+00 : f32
        %broadcast_in_dim3A_733 = vector.broadcast %jit3A_732 : f32 to vector<16xf32>
        %select_n3A_734 = arith.select %not3A_720, %mul3A_727, %broadcast_in_dim3A_733 : vector<16xi1>, vector<16xf32>
        %add3A_735 = arith.addf %scan3A_684, %select_n3A_734 : vector<16xf32>
        %jit3A_736 = arith.constant 1.000000e+00 : f32
        %jit3A_737 = arith.constant 0.000000e+00 : f32
        %broadcast_in_dim3A_738 = vector.broadcast %jit3A_736 : f32 to vector<16xf32>
        %broadcast_in_dim3A_739 = vector.broadcast %jit3A_737 : f32 to vector<16xf32>
        %select_n3A_740 = arith.select %not3A_720, %broadcast_in_dim3A_738, %broadcast_in_dim3A_739 : vector<16xi1>, vector<16xf32>
        %add3A_741 = arith.addf %scan3A_685, %select_n3A_740 : vector<16xf32>
        %jit3A_742 = arith.constant 0.000000e+00 : f32
        %broadcast_in_dim3A_743 = vector.broadcast %jit3A_742 : f32 to vector<16xf32>
        %select_n3A_744 = arith.select %and3A_724, %mul3A_727, %broadcast_in_dim3A_743 : vector<16xi1>, vector<16xf32>
        %add3A_745 = arith.addf %scan3A_686, %select_n3A_744 : vector<16xf32>
        %jit3A_746 = arith.constant 1.000000e+00 : f32
        %jit3A_747 = arith.constant 0.000000e+00 : f32
        %broadcast_in_dim3A_748 = vector.broadcast %jit3A_746 : f32 to vector<16xf32>
        %broadcast_in_dim3A_749 = vector.broadcast %jit3A_747 : f32 to vector<16xf32>
        %select_n3A_750 = arith.select %and3A_724, %broadcast_in_dim3A_748, %broadcast_in_dim3A_749 : vector<16xi1>, vector<16xf32>
        %add3A_751 = arith.addf %scan3A_687, %select_n3A_750 : vector<16xf32>
        %add3A_752 = arith.constant 2 : i32
        %add3A_753 = vector.broadcast %add3A_752 : i32 to vector<16xi32>
        %add3A_754 = arith.addi %add3A_701, %add3A_753 : vector<16xi32>
        %gather3A_755 = tpu.vector_load_idx %arg6[%add3A_754] : memref<30000xf32, #tpu.memory_space<vmem>>[vector<16xi32>], vector<16xf32>,
        %add3A_756 = arith.constant 3 : i32
        %add3A_757 = vector.broadcast %add3A_756 : i32 to vector<16xi32>
        %add3A_758 = arith.addi %add3A_701, %add3A_757 : vector<16xi32>
        %gather3A_759 = tpu.vector_load_idx %arg6[%add3A_758] : memref<30000xf32, #tpu.memory_space<vmem>>[vector<16xi32>], vector<16xf32>,
        %add3A_760 = arith.constant 1 : i32
        %add3A_761 = vector.broadcast %add3A_760 : i32 to vector<16xi32>
        %add3A_762 = arith.addi %add3A_705, %add3A_761 : vector<16xi32>
        %gather3A_763 = tpu.vector_load_idx %arg8[%add3A_762] : memref<15000xf32, #tpu.memory_space<vmem>>[vector<16xi32>], vector<16xf32>,
        %ne3A_764 = arith.cmpf one, %gather3A_763, %gather3A_763 : vector<16xf32>
        %not3A_765 = arith.constant dense<true> : vector<16xi1>
        %not3A_766 = arith.xori %ne3A_764, %not3A_765 : vector<16xi1>
        %lt3A_767 = arith.constant 0.000000e+00 : f32
        %lt3A_768 = vector.broadcast %lt3A_767 : f32 to vector<16xf32>
        %lt3A_769 = arith.cmpf olt, %gather3A_759, %lt3A_768 : vector<16xf32>
        %and3A_770 = arith.andi %lt3A_769, %ne3A_764 : vector<16xi1>
        %sub3A_771 = arith.subf %gather3A_755, %gather3A_763 : vector<16xf32>
        %mul3A_772 = arith.mulf %sub3A_771, %sub3A_771 : vector<16xf32>
        %mul3A_773 = arith.mulf %gather3A_759, %gather3A_759 : vector<16xf32>
        %jit3A_774 = arith.constant 0.000000e+00 : f32
        %broadcast_in_dim3A_775 = vector.broadcast %jit3A_774 : f32 to vector<16xf32>
        %select_n3A_776 = arith.select %not3A_766, %mul3A_772, %broadcast_in_dim3A_775 : vector<16xi1>, vector<16xf32>
        %add3A_777 = arith.addf %scan3A_688, %select_n3A_776 : vector<16xf32>
        %jit3A_778 = arith.constant 0.000000e+00 : f32
        %broadcast_in_dim3A_779 = vector.broadcast %jit3A_778 : f32 to vector<16xf32>
        %select_n3A_780 = arith.select %not3A_766, %mul3A_773, %broadcast_in_dim3A_779 : vector<16xi1>, vector<16xf32>
        %add3A_781 = arith.addf %scan3A_689, %select_n3A_780 : vector<16xf32>
        %jit3A_782 = arith.constant 1.000000e+00 : f32
        %jit3A_783 = arith.constant 0.000000e+00 : f32
        %broadcast_in_dim3A_784 = vector.broadcast %jit3A_782 : f32 to vector<16xf32>
        %broadcast_in_dim3A_785 = vector.broadcast %jit3A_783 : f32 to vector<16xf32>
        %select_n3A_786 = arith.select %not3A_766, %broadcast_in_dim3A_784, %broadcast_in_dim3A_785 : vector<16xi1>, vector<16xf32>
        %add3A_787 = arith.addf %scan3A_690, %select_n3A_786 : vector<16xf32>
        %jit3A_788 = arith.constant 0.000000e+00 : f32
        %broadcast_in_dim3A_789 = vector.broadcast %jit3A_788 : f32 to vector<16xf32>
        %select_n3A_790 = arith.select %and3A_770, %mul3A_773, %broadcast_in_dim3A_789 : vector<16xi1>, vector<16xf32>
        %add3A_791 = arith.addf %scan3A_691, %select_n3A_790 : vector<16xf32>
        %jit3A_792 = arith.constant 1.000000e+00 : f32
        %jit3A_793 = arith.constant 0.000000e+00 : f32
        %broadcast_in_dim3A_794 = vector.broadcast %jit3A_792 : f32 to vector<16xf32>
        %broadcast_in_dim3A_795 = vector.broadcast %jit3A_793 : f32 to vector<16xf32>
        %select_n3A_796 = arith.select %and3A_770, %broadcast_in_dim3A_794, %broadcast_in_dim3A_795 : vector<16xi1>, vector<16xf32>
        %add3A_797 = arith.addf %scan3A_692, %select_n3A_796 : vector<16xf32>
        %add3A_798 = arith.constant 4 : i32
        %add3A_799 = vector.broadcast %add3A_798 : i32 to vector<16xi32>
        %add3A_800 = arith.addi %add3A_701, %add3A_799 : vector<16xi32>
        %gather3A_801 = tpu.vector_load_idx %arg6[%add3A_800] : memref<30000xf32, #tpu.memory_space<vmem>>[vector<16xi32>], vector<16xf32>,
        %add3A_802 = arith.constant 5 : i32
        %add3A_803 = vector.broadcast %add3A_802 : i32 to vector<16xi32>
        %add3A_804 = arith.addi %add3A_701, %add3A_803 : vector<16xi32>
        %gather3A_805 = tpu.vector_load_idx %arg6[%add3A_804] : memref<30000xf32, #tpu.memory_space<vmem>>[vector<16xi32>], vector<16xf32>,
        %add3A_806 = arith.constant 2 : i32
        %add3A_807 = vector.broadcast %add3A_806 : i32 to vector<16xi32>
        %add3A_808 = arith.addi %add3A_705, %add3A_807 : vector<16xi32>
        %gather3A_809 = tpu.vector_load_idx %arg8[%add3A_808] : memref<15000xf32, #tpu.memory_space<vmem>>[vector<16xi32>], vector<16xf32>,
        %ne3A_810 = arith.cmpf one, %gather3A_809, %gather3A_809 : vector<16xf32>
        %not3A_811 = arith.constant dense<true> : vector<16xi1>
        %not3A_812 = arith.xori %ne3A_810, %not3A_811 : vector<16xi1>
        %lt3A_813 = arith.constant 0.000000e+00 : f32
        %lt3A_814 = vector.broadcast %lt3A_813 : f32 to vector<16xf32>
        %lt3A_815 = arith.cmpf olt, %gather3A_805, %lt3A_814 : vector<16xf32>
        %and3A_816 = arith.andi %lt3A_815, %ne3A_810 : vector<16xi1>
        %sub3A_817 = arith.subf %gather3A_801, %gather3A_809 : vector<16xf32>
        %mul3A_818 = arith.mulf %sub3A_817, %sub3A_817 : vector<16xf32>
        %mul3A_819 = arith.mulf %gather3A_805, %gather3A_805 : vector<16xf32>
        %jit3A_820 = arith.constant 0.000000e+00 : f32
        %broadcast_in_dim3A_821 = vector.broadcast %jit3A_820 : f32 to vector<16xf32>
        %select_n3A_822 = arith.select %not3A_812, %mul3A_818, %broadcast_in_dim3A_821 : vector<16xi1>, vector<16xf32>
        %add3A_823 = arith.addf %scan3A_693, %select_n3A_822 : vector<16xf32>
        %jit3A_824 = arith.constant 0.000000e+00 : f32
        %broadcast_in_dim3A_825 = vector.broadcast %jit3A_824 : f32 to vector<16xf32>
        %select_n3A_826 = arith.select %not3A_812, %mul3A_819, %broadcast_in_dim3A_825 : vector<16xi1>, vector<16xf32>
        %add3A_827 = arith.addf %scan3A_694, %select_n3A_826 : vector<16xf32>
        %jit3A_828 = arith.constant 1.000000e+00 : f32
        %jit3A_829 = arith.constant 0.000000e+00 : f32
        %broadcast_in_dim3A_830 = vector.broadcast %jit3A_828 : f32 to vector<16xf32>
        %broadcast_in_dim3A_831 = vector.broadcast %jit3A_829 : f32 to vector<16xf32>
        %select_n3A_832 = arith.select %not3A_812, %broadcast_in_dim3A_830, %broadcast_in_dim3A_831 : vector<16xi1>, vector<16xf32>
        %add3A_833 = arith.addf %scan3A_695, %select_n3A_832 : vector<16xf32>
        %jit3A_834 = arith.constant 0.000000e+00 : f32
        %broadcast_in_dim3A_835 = vector.broadcast %jit3A_834 : f32 to vector<16xf32>
        %select_n3A_836 = arith.select %and3A_816, %mul3A_819, %broadcast_in_dim3A_835 : vector<16xi1>, vector<16xf32>
        %add3A_837 = arith.addf %scan3A_696, %select_n3A_836 : vector<16xf32>
        %jit3A_838 = arith.constant 1.000000e+00 : f32
        %jit3A_839 = arith.constant 0.000000e+00 : f32
        %broadcast_in_dim3A_840 = vector.broadcast %jit3A_838 : f32 to vector<16xf32>
        %broadcast_in_dim3A_841 = vector.broadcast %jit3A_839 : f32 to vector<16xf32>
        %select_n3A_842 = arith.select %and3A_816, %broadcast_in_dim3A_840, %broadcast_in_dim3A_841 : vector<16xi1>, vector<16xf32>
        %add3A_843 = arith.addf %scan3A_697, %select_n3A_842 : vector<16xf32>
        scf.yield %add3A_731, %add3A_735, %add3A_741, %add3A_745, %add3A_751, %add3A_777, %add3A_781, %add3A_787, %add3A_791, %add3A_797, %add3A_823, %add3A_827, %add3A_833, %add3A_837, %add3A_843 : vector<16xf32>, vector<16xf32>, vector<16xf32>, vector<16xf32>, vector<16xf32>, vector<16xf32>, vector<16xf32>, vector<16xf32>, vector<16xf32>, vector<16xf32>, vector<16xf32>, vector<16xf32>, vector<16xf32>, vector<16xf32>, vector<16xf32>
      }
      %scan3A_522 = arith.constant 312 : i32
      %add3A_523 = arith.constant 29952 : i32
      %add3A_524 = vector.broadcast %add3A_523 : i32 to vector<16xi32>
      %add3A_525 = arith.addi %mul3A_513, %add3A_524 : vector<16xi32>
      %min3A_526 = arith.constant 29994 : i32
      %min3A_527 = vector.broadcast %min3A_526 : i32 to vector<16xi32>
      %min3A_528 = arith.minsi %add3A_525, %min3A_527 : vector<16xi32>
      %add3A_529 = arith.constant 14976 : i32
      %add3A_530 = vector.broadcast %add3A_529 : i32 to vector<16xi32>
      %add3A_531 = arith.addi %mul3A_516, %add3A_530 : vector<16xi32>
      %min3A_532 = arith.constant 14997 : i32
      %min3A_533 = vector.broadcast %min3A_532 : i32 to vector<16xi32>
      %min3A_534 = arith.minsi %add3A_531, %min3A_533 : vector<16xi32>
      %lt3A_535 = arith.constant 8 : i32
      %lt3A_536 = vector.broadcast %lt3A_535 : i32 to vector<16xi32>
      %lt3A_537 = arith.cmpi slt, %iota3A_510, %lt3A_536 : vector<16xi32>
      %add3A_538 = arith.constant 0 : i32
      %add3A_539 = vector.broadcast %add3A_538 : i32 to vector<16xi32>
      %add3A_540 = arith.addi %min3A_528, %add3A_539 : vector<16xi32>
      %gather3A_541 = tpu.vector_load_idx %arg6[%add3A_540] : memref<30000xf32, #tpu.memory_space<vmem>>[vector<16xi32>], vector<16xf32>,
      %add3A_542 = arith.constant 1 : i32
      %add3A_543 = vector.broadcast %add3A_542 : i32 to vector<16xi32>
      %add3A_544 = arith.addi %min3A_528, %add3A_543 : vector<16xi32>
      %gather3A_545 = tpu.vector_load_idx %arg6[%add3A_544] : memref<30000xf32, #tpu.memory_space<vmem>>[vector<16xi32>], vector<16xf32>,
      %add3A_546 = arith.constant 0 : i32
      %add3A_547 = vector.broadcast %add3A_546 : i32 to vector<16xi32>
      %add3A_548 = arith.addi %min3A_534, %add3A_547 : vector<16xi32>
      %gather3A_549 = tpu.vector_load_idx %arg8[%add3A_548] : memref<15000xf32, #tpu.memory_space<vmem>>[vector<16xi32>], vector<16xf32>,
      %ne3A_550 = arith.cmpf one, %gather3A_549, %gather3A_549 : vector<16xf32>
      %not3A_551 = arith.constant dense<true> : vector<16xi1>
      %not3A_552 = arith.xori %ne3A_550, %not3A_551 : vector<16xi1>
      %and3A_553 = arith.andi %not3A_552, %lt3A_537 : vector<16xi1>
      %and3A_554 = arith.andi %ne3A_550, %lt3A_537 : vector<16xi1>
      %lt3A_555 = arith.constant 0.000000e+00 : f32
      %lt3A_556 = vector.broadcast %lt3A_555 : f32 to vector<16xf32>
      %lt3A_557 = arith.cmpf olt, %gather3A_545, %lt3A_556 : vector<16xf32>
      %and3A_558 = arith.andi %lt3A_557, %and3A_554 : vector<16xi1>
      %sub3A_559 = arith.subf %gather3A_541, %gather3A_549 : vector<16xf32>
      %mul3A_560 = arith.mulf %sub3A_559, %sub3A_559 : vector<16xf32>
      %mul3A_561 = arith.mulf %gather3A_545, %gather3A_545 : vector<16xf32>
      %jit3A_562 = arith.constant 0.000000e+00 : f32
      %broadcast_in_dim3A_563 = vector.broadcast %jit3A_562 : f32 to vector<16xf32>
      %select_n3A_564 = arith.select %and3A_553, %mul3A_560, %broadcast_in_dim3A_563 : vector<16xi1>, vector<16xf32>
      %add3A_565 = arith.addf %scan3A_521#0, %select_n3A_564 : vector<16xf32>
      %jit3A_566 = arith.constant 0.000000e+00 : f32
      %broadcast_in_dim3A_567 = vector.broadcast %jit3A_566 : f32 to vector<16xf32>
      %select_n3A_568 = arith.select %and3A_553, %mul3A_561, %broadcast_in_dim3A_567 : vector<16xi1>, vector<16xf32>
      %add3A_569 = arith.addf %scan3A_521#1, %select_n3A_568 : vector<16xf32>
      %jit3A_570 = arith.constant 1.000000e+00 : f32
      %jit3A_571 = arith.constant 0.000000e+00 : f32
      %broadcast_in_dim3A_572 = vector.broadcast %jit3A_570 : f32 to vector<16xf32>
      %broadcast_in_dim3A_573 = vector.broadcast %jit3A_571 : f32 to vector<16xf32>
      %select_n3A_574 = arith.select %and3A_553, %broadcast_in_dim3A_572, %broadcast_in_dim3A_573 : vector<16xi1>, vector<16xf32>
      %add3A_575 = arith.addf %scan3A_521#2, %select_n3A_574 : vector<16xf32>
      %jit3A_576 = arith.constant 0.000000e+00 : f32
      %broadcast_in_dim3A_577 = vector.broadcast %jit3A_576 : f32 to vector<16xf32>
      %select_n3A_578 = arith.select %and3A_558, %mul3A_561, %broadcast_in_dim3A_577 : vector<16xi1>, vector<16xf32>
      %add3A_579 = arith.addf %scan3A_521#3, %select_n3A_578 : vector<16xf32>
      %jit3A_580 = arith.constant 1.000000e+00 : f32
      %jit3A_581 = arith.constant 0.000000e+00 : f32
      %broadcast_in_dim3A_582 = vector.broadcast %jit3A_580 : f32 to vector<16xf32>
      %broadcast_in_dim3A_583 = vector.broadcast %jit3A_581 : f32 to vector<16xf32>
      %select_n3A_584 = arith.select %and3A_558, %broadcast_in_dim3A_582, %broadcast_in_dim3A_583 : vector<16xi1>, vector<16xf32>
      %add3A_585 = arith.addf %scan3A_521#4, %select_n3A_584 : vector<16xf32>
      %add3A_586 = arith.constant 2 : i32
      %add3A_587 = vector.broadcast %add3A_586 : i32 to vector<16xi32>
      %add3A_588 = arith.addi %min3A_528, %add3A_587 : vector<16xi32>
      %gather3A_589 = tpu.vector_load_idx %arg6[%add3A_588] : memref<30000xf32, #tpu.memory_space<vmem>>[vector<16xi32>], vector<16xf32>,
      %add3A_590 = arith.constant 3 : i32
      %add3A_591 = vector.broadcast %add3A_590 : i32 to vector<16xi32>
      %add3A_592 = arith.addi %min3A_528, %add3A_591 : vector<16xi32>
      %gather3A_593 = tpu.vector_load_idx %arg6[%add3A_592] : memref<30000xf32, #tpu.memory_space<vmem>>[vector<16xi32>], vector<16xf32>,
      %add3A_594 = arith.constant 1 : i32
      %add3A_595 = vector.broadcast %add3A_594 : i32 to vector<16xi32>
      %add3A_596 = arith.addi %min3A_534, %add3A_595 : vector<16xi32>
      %gather3A_597 = tpu.vector_load_idx %arg8[%add3A_596] : memref<15000xf32, #tpu.memory_space<vmem>>[vector<16xi32>], vector<16xf32>,
      %ne3A_598 = arith.cmpf one, %gather3A_597, %gather3A_597 : vector<16xf32>
      %not3A_599 = arith.constant dense<true> : vector<16xi1>
      %not3A_600 = arith.xori %ne3A_598, %not3A_599 : vector<16xi1>
      %and3A_601 = arith.andi %not3A_600, %lt3A_537 : vector<16xi1>
      %and3A_602 = arith.andi %ne3A_598, %lt3A_537 : vector<16xi1>
      %lt3A_603 = arith.constant 0.000000e+00 : f32
      %lt3A_604 = vector.broadcast %lt3A_603 : f32 to vector<16xf32>
      %lt3A_605 = arith.cmpf olt, %gather3A_593, %lt3A_604 : vector<16xf32>
      %and3A_606 = arith.andi %lt3A_605, %and3A_602 : vector<16xi1>
      %sub3A_607 = arith.subf %gather3A_589, %gather3A_597 : vector<16xf32>
      %mul3A_608 = arith.mulf %sub3A_607, %sub3A_607 : vector<16xf32>
      %mul3A_609 = arith.mulf %gather3A_593, %gather3A_593 : vector<16xf32>
      %jit3A_610 = arith.constant 0.000000e+00 : f32
      %broadcast_in_dim3A_611 = vector.broadcast %jit3A_610 : f32 to vector<16xf32>
      %select_n3A_612 = arith.select %and3A_601, %mul3A_608, %broadcast_in_dim3A_611 : vector<16xi1>, vector<16xf32>
      %add3A_613 = arith.addf %scan3A_521#5, %select_n3A_612 : vector<16xf32>
      %jit3A_614 = arith.constant 0.000000e+00 : f32
      %broadcast_in_dim3A_615 = vector.broadcast %jit3A_614 : f32 to vector<16xf32>
      %select_n3A_616 = arith.select %and3A_601, %mul3A_609, %broadcast_in_dim3A_615 : vector<16xi1>, vector<16xf32>
      %add3A_617 = arith.addf %scan3A_521#6, %select_n3A_616 : vector<16xf32>
      %jit3A_618 = arith.constant 1.000000e+00 : f32
      %jit3A_619 = arith.constant 0.000000e+00 : f32
      %broadcast_in_dim3A_620 = vector.broadcast %jit3A_618 : f32 to vector<16xf32>
      %broadcast_in_dim3A_621 = vector.broadcast %jit3A_619 : f32 to vector<16xf32>
      %select_n3A_622 = arith.select %and3A_601, %broadcast_in_dim3A_620, %broadcast_in_dim3A_621 : vector<16xi1>, vector<16xf32>
      %add3A_623 = arith.addf %scan3A_521#7, %select_n3A_622 : vector<16xf32>
      %jit3A_624 = arith.constant 0.000000e+00 : f32
      %broadcast_in_dim3A_625 = vector.broadcast %jit3A_624 : f32 to vector<16xf32>
      %select_n3A_626 = arith.select %and3A_606, %mul3A_609, %broadcast_in_dim3A_625 : vector<16xi1>, vector<16xf32>
      %add3A_627 = arith.addf %scan3A_521#8, %select_n3A_626 : vector<16xf32>
      %jit3A_628 = arith.constant 1.000000e+00 : f32
      %jit3A_629 = arith.constant 0.000000e+00 : f32
      %broadcast_in_dim3A_630 = vector.broadcast %jit3A_628 : f32 to vector<16xf32>
      %broadcast_in_dim3A_631 = vector.broadcast %jit3A_629 : f32 to vector<16xf32>
      %select_n3A_632 = arith.select %and3A_606, %broadcast_in_dim3A_630, %broadcast_in_dim3A_631 : vector<16xi1>, vector<16xf32>
      %add3A_633 = arith.addf %scan3A_521#9, %select_n3A_632 : vector<16xf32>
      %add3A_634 = arith.constant 4 : i32
      %add3A_635 = vector.broadcast %add3A_634 : i32 to vector<16xi32>
      %add3A_636 = arith.addi %min3A_528, %add3A_635 : vector<16xi32>
      %gather3A_637 = tpu.vector_load_idx %arg6[%add3A_636] : memref<30000xf32, #tpu.memory_space<vmem>>[vector<16xi32>], vector<16xf32>,
      %add3A_638 = arith.constant 5 : i32
      %add3A_639 = vector.broadcast %add3A_638 : i32 to vector<16xi32>
      %add3A_640 = arith.addi %min3A_528, %add3A_639 : vector<16xi32>
      %gather3A_641 = tpu.vector_load_idx %arg6[%add3A_640] : memref<30000xf32, #tpu.memory_space<vmem>>[vector<16xi32>], vector<16xf32>,
      %add3A_642 = arith.constant 2 : i32
      %add3A_643 = vector.broadcast %add3A_642 : i32 to vector<16xi32>
      %add3A_644 = arith.addi %min3A_534, %add3A_643 : vector<16xi32>
      %gather3A_645 = tpu.vector_load_idx %arg8[%add3A_644] : memref<15000xf32, #tpu.memory_space<vmem>>[vector<16xi32>], vector<16xf32>,
      %ne3A_646 = arith.cmpf one, %gather3A_645, %gather3A_645 : vector<16xf32>
      %not3A_647 = arith.constant dense<true> : vector<16xi1>
      %not3A_648 = arith.xori %ne3A_646, %not3A_647 : vector<16xi1>
      %and3A_649 = arith.andi %not3A_648, %lt3A_537 : vector<16xi1>
      %and3A_650 = arith.andi %ne3A_646, %lt3A_537 : vector<16xi1>
      %lt3A_651 = arith.constant 0.000000e+00 : f32
      %lt3A_652 = vector.broadcast %lt3A_651 : f32 to vector<16xf32>
      %lt3A_653 = arith.cmpf olt, %gather3A_641, %lt3A_652 : vector<16xf32>
      %and3A_654 = arith.andi %lt3A_653, %and3A_650 : vector<16xi1>
      %sub3A_655 = arith.subf %gather3A_637, %gather3A_645 : vector<16xf32>
      %mul3A_656 = arith.mulf %sub3A_655, %sub3A_655 : vector<16xf32>
      %mul3A_657 = arith.mulf %gather3A_641, %gather3A_641 : vector<16xf32>
      %jit3A_658 = arith.constant 0.000000e+00 : f32
      %broadcast_in_dim3A_659 = vector.broadcast %jit3A_658 : f32 to vector<16xf32>
      %select_n3A_660 = arith.select %and3A_649, %mul3A_656, %broadcast_in_dim3A_659 : vector<16xi1>, vector<16xf32>
      %add3A_661 = arith.addf %scan3A_521#10, %select_n3A_660 : vector<16xf32>
      %jit3A_662 = arith.constant 0.000000e+00 : f32
      %broadcast_in_dim3A_663 = vector.broadcast %jit3A_662 : f32 to vector<16xf32>
      %select_n3A_664 = arith.select %and3A_649, %mul3A_657, %broadcast_in_dim3A_663 : vector<16xi1>, vector<16xf32>
      %add3A_665 = arith.addf %scan3A_521#11, %select_n3A_664 : vector<16xf32>
      %jit3A_666 = arith.constant 1.000000e+00 : f32
      %jit3A_667 = arith.constant 0.000000e+00 : f32
      %broadcast_in_dim3A_668 = vector.broadcast %jit3A_666 : f32 to vector<16xf32>
      %broadcast_in_dim3A_669 = vector.broadcast %jit3A_667 : f32 to vector<16xf32>
      %select_n3A_670 = arith.select %and3A_649, %broadcast_in_dim3A_668, %broadcast_in_dim3A_669 : vector<16xi1>, vector<16xf32>
      %add3A_671 = arith.addf %scan3A_521#12, %select_n3A_670 : vector<16xf32>
      %jit3A_672 = arith.constant 0.000000e+00 : f32
      %broadcast_in_dim3A_673 = vector.broadcast %jit3A_672 : f32 to vector<16xf32>
      %select_n3A_674 = arith.select %and3A_654, %mul3A_657, %broadcast_in_dim3A_673 : vector<16xi1>, vector<16xf32>
      %add3A_675 = arith.addf %scan3A_521#13, %select_n3A_674 : vector<16xf32>
      %jit3A_676 = arith.constant 1.000000e+00 : f32
      %jit3A_677 = arith.constant 0.000000e+00 : f32
      %broadcast_in_dim3A_678 = vector.broadcast %jit3A_676 : f32 to vector<16xf32>
      %broadcast_in_dim3A_679 = vector.broadcast %jit3A_677 : f32 to vector<16xf32>
      %select_n3A_680 = arith.select %and3A_654, %broadcast_in_dim3A_678, %broadcast_in_dim3A_679 : vector<16xi1>, vector<16xf32>
      %add3A_681 = arith.addf %scan3A_521#14, %select_n3A_680 : vector<16xf32>
      scf.yield %add3A_565, %add3A_569, %add3A_575, %add3A_579, %add3A_585, %add3A_613, %add3A_617, %add3A_623, %add3A_627, %add3A_633, %add3A_661, %add3A_665, %add3A_671, %add3A_675, %add3A_681 : vector<16xf32>, vector<16xf32>, vector<16xf32>, vector<16xf32>, vector<16xf32>, vector<16xf32>, vector<16xf32>, vector<16xf32>, vector<16xf32>, vector<16xf32>, vector<16xf32>, vector<16xf32>, vector<16xf32>, vector<16xf32>, vector<16xf32>
    }
    %scan3A_45 = arith.constant 12 : i32
    %add3A_46 = arith.constant 720000 : i32
    %add3A_47 = arith.addi %mul3A_2, %add3A_46 : i32
    %dma_wait3A = tpu.memref_slice %arg2[%add3A_47] : memref<24000000xf32, #tpu.memory_space<hbm>> -> memref<30000xf32, #tpu.memory_space<hbm>>
    %dma_wait3A_48 = tpu.memref_slice %arg2[%add3A_47] : memref<24000000xf32, #tpu.memory_space<hbm>> -> memref<30000xf32, #tpu.memory_space<hbm>>
    tpu.wait_dma2 semaphore(%arg10 : memref<!tpu.dma_semaphore, #tpu.memory_space<semaphore_mem>>) src(%dma_wait3A_48 : memref<30000xf32, #tpu.memory_space<hbm>>) dst(%arg5 : memref<30000xf32, #tpu.memory_space<vmem>>)
    %add3A_49 = arith.constant 360000 : i32
    %add3A_50 = arith.addi %mul3A_4, %add3A_49 : i32
    %dma_wait3A_51 = tpu.memref_slice %arg3[%add3A_50] : memref<12000000xf32, #tpu.memory_space<hbm>> -> memref<15000xf32, #tpu.memory_space<hbm>>
    %dma_wait3A_52 = tpu.memref_slice %arg3[%add3A_50] : memref<12000000xf32, #tpu.memory_space<hbm>> -> memref<15000xf32, #tpu.memory_space<hbm>>
    tpu.wait_dma2 semaphore(%arg12 : memref<!tpu.dma_semaphore, #tpu.memory_space<semaphore_mem>>) src(%dma_wait3A_52 : memref<15000xf32, #tpu.memory_space<hbm>>) dst(%arg7 : memref<15000xf32, #tpu.memory_space<vmem>>)
    %iota3A = tpu.iota {dimensions = array<i32: 0>} : vector<16xi32>
    %mul3A_53 = arith.constant 6 : i32
    %mul3A_54 = vector.broadcast %mul3A_53 : i32 to vector<16xi32>
    %mul3A_55 = arith.muli %iota3A, %mul3A_54 : vector<16xi32>
    %mul3A_56 = arith.constant 3 : i32
    %mul3A_57 = vector.broadcast %mul3A_56 : i32 to vector<16xi32>
    %mul3A_58 = arith.muli %iota3A, %mul3A_57 : vector<16xi32>
    %scan3A_59 = arith.constant 0 : i32
    %scan3A_60 = arith.constant 312 : i32
    %scan3A_61 = arith.addi %scan3A_59, %scan3A_60 : i32
    %scan3A_62 = arith.constant 1 : i32
    %scan3A_63:15 = scf.for %scan3A_274 = %scan3A_59 to %scan3A_61 step %scan3A_62 iter_args(%scan3A_275 = %scan3A_44#0, %scan3A_276 = %scan3A_44#1, %scan3A_277 = %scan3A_44#2, %scan3A_278 = %scan3A_44#3, %scan3A_279 = %scan3A_44#4, %scan3A_280 = %scan3A_44#5, %scan3A_281 = %scan3A_44#6, %scan3A_282 = %scan3A_44#7, %scan3A_283 = %scan3A_44#8, %scan3A_284 = %scan3A_44#9, %scan3A_285 = %scan3A_44#10, %scan3A_286 = %scan3A_44#11, %scan3A_287 = %scan3A_44#12, %scan3A_288 = %scan3A_44#13, %scan3A_289 = %scan3A_44#14) -> (vector<16xf32>, vector<16xf32>, vector<16xf32>, vector<16xf32>, vector<16xf32>, vector<16xf32>, vector<16xf32>, vector<16xf32>, vector<16xf32>, vector<16xf32>, vector<16xf32>, vector<16xf32>, vector<16xf32>, vector<16xf32>, vector<16xf32>)  : i32 {
      %mul3A_290 = arith.constant 96 : i32
      %mul3A_291 = arith.muli %scan3A_274, %mul3A_290 : i32
      %add3A_292 = vector.broadcast %mul3A_291 : i32 to vector<16xi32>
      %add3A_293 = arith.addi %mul3A_55, %add3A_292 : vector<16xi32>
      %mul3A_294 = arith.constant 48 : i32
      %mul3A_295 = arith.muli %scan3A_274, %mul3A_294 : i32
      %add3A_296 = vector.broadcast %mul3A_295 : i32 to vector<16xi32>
      %add3A_297 = arith.addi %mul3A_58, %add3A_296 : vector<16xi32>
      %add3A_298 = arith.constant 0 : i32
      %add3A_299 = vector.broadcast %add3A_298 : i32 to vector<16xi32>
      %add3A_300 = arith.addi %add3A_293, %add3A_299 : vector<16xi32>
      %gather3A_301 = tpu.vector_load_idx %arg5[%add3A_300] : memref<30000xf32, #tpu.memory_space<vmem>>[vector<16xi32>], vector<16xf32>,
      %add3A_302 = arith.constant 1 : i32
      %add3A_303 = vector.broadcast %add3A_302 : i32 to vector<16xi32>
      %add3A_304 = arith.addi %add3A_293, %add3A_303 : vector<16xi32>
      %gather3A_305 = tpu.vector_load_idx %arg5[%add3A_304] : memref<30000xf32, #tpu.memory_space<vmem>>[vector<16xi32>], vector<16xf32>,
      %add3A_306 = arith.constant 0 : i32
      %add3A_307 = vector.broadcast %add3A_306 : i32 to vector<16xi32>
      %add3A_308 = arith.addi %add3A_297, %add3A_307 : vector<16xi32>
      %gather3A_309 = tpu.vector_load_idx %arg7[%add3A_308] : memref<15000xf32, #tpu.memory_space<vmem>>[vector<16xi32>], vector<16xf32>,
      %ne3A_310 = arith.cmpf one, %gather3A_309, %gather3A_309 : vector<16xf32>
      %not3A_311 = arith.constant dense<true> : vector<16xi1>
      %not3A_312 = arith.xori %ne3A_310, %not3A_311 : vector<16xi1>
      %lt3A_313 = arith.constant 0.000000e+00 : f32
      %lt3A_314 = vector.broadcast %lt3A_313 : f32 to vector<16xf32>
      %lt3A_315 = arith.cmpf olt, %gather3A_305, %lt3A_314 : vector<16xf32>
      %and3A_316 = arith.andi %lt3A_315, %ne3A_310 : vector<16xi1>
      %sub3A_317 = arith.subf %gather3A_301, %gather3A_309 : vector<16xf32>
      %mul3A_318 = arith.mulf %sub3A_317, %sub3A_317 : vector<16xf32>
      %mul3A_319 = arith.mulf %gather3A_305, %gather3A_305 : vector<16xf32>
      %jit3A_320 = arith.constant 0.000000e+00 : f32
      %broadcast_in_dim3A_321 = vector.broadcast %jit3A_320 : f32 to vector<16xf32>
      %select_n3A_322 = arith.select %not3A_312, %mul3A_318, %broadcast_in_dim3A_321 : vector<16xi1>, vector<16xf32>
      %add3A_323 = arith.addf %scan3A_275, %select_n3A_322 : vector<16xf32>
      %jit3A_324 = arith.constant 0.000000e+00 : f32
      %broadcast_in_dim3A_325 = vector.broadcast %jit3A_324 : f32 to vector<16xf32>
      %select_n3A_326 = arith.select %not3A_312, %mul3A_319, %broadcast_in_dim3A_325 : vector<16xi1>, vector<16xf32>
      %add3A_327 = arith.addf %scan3A_276, %select_n3A_326 : vector<16xf32>
      %jit3A_328 = arith.constant 1.000000e+00 : f32
      %jit3A_329 = arith.constant 0.000000e+00 : f32
      %broadcast_in_dim3A_330 = vector.broadcast %jit3A_328 : f32 to vector<16xf32>
      %broadcast_in_dim3A_331 = vector.broadcast %jit3A_329 : f32 to vector<16xf32>
      %select_n3A_332 = arith.select %not3A_312, %broadcast_in_dim3A_330, %broadcast_in_dim3A_331 : vector<16xi1>, vector<16xf32>
      %add3A_333 = arith.addf %scan3A_277, %select_n3A_332 : vector<16xf32>
      %jit3A_334 = arith.constant 0.000000e+00 : f32
      %broadcast_in_dim3A_335 = vector.broadcast %jit3A_334 : f32 to vector<16xf32>
      %select_n3A_336 = arith.select %and3A_316, %mul3A_319, %broadcast_in_dim3A_335 : vector<16xi1>, vector<16xf32>
      %add3A_337 = arith.addf %scan3A_278, %select_n3A_336 : vector<16xf32>
      %jit3A_338 = arith.constant 1.000000e+00 : f32
      %jit3A_339 = arith.constant 0.000000e+00 : f32
      %broadcast_in_dim3A_340 = vector.broadcast %jit3A_338 : f32 to vector<16xf32>
      %broadcast_in_dim3A_341 = vector.broadcast %jit3A_339 : f32 to vector<16xf32>
      %select_n3A_342 = arith.select %and3A_316, %broadcast_in_dim3A_340, %broadcast_in_dim3A_341 : vector<16xi1>, vector<16xf32>
      %add3A_343 = arith.addf %scan3A_279, %select_n3A_342 : vector<16xf32>
      %add3A_344 = arith.constant 2 : i32
      %add3A_345 = vector.broadcast %add3A_344 : i32 to vector<16xi32>
      %add3A_346 = arith.addi %add3A_293, %add3A_345 : vector<16xi32>
      %gather3A_347 = tpu.vector_load_idx %arg5[%add3A_346] : memref<30000xf32, #tpu.memory_space<vmem>>[vector<16xi32>], vector<16xf32>,
      %add3A_348 = arith.constant 3 : i32
      %add3A_349 = vector.broadcast %add3A_348 : i32 to vector<16xi32>
      %add3A_350 = arith.addi %add3A_293, %add3A_349 : vector<16xi32>
      %gather3A_351 = tpu.vector_load_idx %arg5[%add3A_350] : memref<30000xf32, #tpu.memory_space<vmem>>[vector<16xi32>], vector<16xf32>,
      %add3A_352 = arith.constant 1 : i32
      %add3A_353 = vector.broadcast %add3A_352 : i32 to vector<16xi32>
      %add3A_354 = arith.addi %add3A_297, %add3A_353 : vector<16xi32>
      %gather3A_355 = tpu.vector_load_idx %arg7[%add3A_354] : memref<15000xf32, #tpu.memory_space<vmem>>[vector<16xi32>], vector<16xf32>,
      %ne3A_356 = arith.cmpf one, %gather3A_355, %gather3A_355 : vector<16xf32>
      %not3A_357 = arith.constant dense<true> : vector<16xi1>
      %not3A_358 = arith.xori %ne3A_356, %not3A_357 : vector<16xi1>
      %lt3A_359 = arith.constant 0.000000e+00 : f32
      %lt3A_360 = vector.broadcast %lt3A_359 : f32 to vector<16xf32>
      %lt3A_361 = arith.cmpf olt, %gather3A_351, %lt3A_360 : vector<16xf32>
      %and3A_362 = arith.andi %lt3A_361, %ne3A_356 : vector<16xi1>
      %sub3A_363 = arith.subf %gather3A_347, %gather3A_355 : vector<16xf32>
      %mul3A_364 = arith.mulf %sub3A_363, %sub3A_363 : vector<16xf32>
      %mul3A_365 = arith.mulf %gather3A_351, %gather3A_351 : vector<16xf32>
      %jit3A_366 = arith.constant 0.000000e+00 : f32
      %broadcast_in_dim3A_367 = vector.broadcast %jit3A_366 : f32 to vector<16xf32>
      %select_n3A_368 = arith.select %not3A_358, %mul3A_364, %broadcast_in_dim3A_367 : vector<16xi1>, vector<16xf32>
      %add3A_369 = arith.addf %scan3A_280, %select_n3A_368 : vector<16xf32>
      %jit3A_370 = arith.constant 0.000000e+00 : f32
      %broadcast_in_dim3A_371 = vector.broadcast %jit3A_370 : f32 to vector<16xf32>
      %select_n3A_372 = arith.select %not3A_358, %mul3A_365, %broadcast_in_dim3A_371 : vector<16xi1>, vector<16xf32>
      %add3A_373 = arith.addf %scan3A_281, %select_n3A_372 : vector<16xf32>
      %jit3A_374 = arith.constant 1.000000e+00 : f32
      %jit3A_375 = arith.constant 0.000000e+00 : f32
      %broadcast_in_dim3A_376 = vector.broadcast %jit3A_374 : f32 to vector<16xf32>
      %broadcast_in_dim3A_377 = vector.broadcast %jit3A_375 : f32 to vector<16xf32>
      %select_n3A_378 = arith.select %not3A_358, %broadcast_in_dim3A_376, %broadcast_in_dim3A_377 : vector<16xi1>, vector<16xf32>
      %add3A_379 = arith.addf %scan3A_282, %select_n3A_378 : vector<16xf32>
      %jit3A_380 = arith.constant 0.000000e+00 : f32
      %broadcast_in_dim3A_381 = vector.broadcast %jit3A_380 : f32 to vector<16xf32>
      %select_n3A_382 = arith.select %and3A_362, %mul3A_365, %broadcast_in_dim3A_381 : vector<16xi1>, vector<16xf32>
      %add3A_383 = arith.addf %scan3A_283, %select_n3A_382 : vector<16xf32>
      %jit3A_384 = arith.constant 1.000000e+00 : f32
      %jit3A_385 = arith.constant 0.000000e+00 : f32
      %broadcast_in_dim3A_386 = vector.broadcast %jit3A_384 : f32 to vector<16xf32>
      %broadcast_in_dim3A_387 = vector.broadcast %jit3A_385 : f32 to vector<16xf32>
      %select_n3A_388 = arith.select %and3A_362, %broadcast_in_dim3A_386, %broadcast_in_dim3A_387 : vector<16xi1>, vector<16xf32>
      %add3A_389 = arith.addf %scan3A_284, %select_n3A_388 : vector<16xf32>
      %add3A_390 = arith.constant 4 : i32
      %add3A_391 = vector.broadcast %add3A_390 : i32 to vector<16xi32>
      %add3A_392 = arith.addi %add3A_293, %add3A_391 : vector<16xi32>
      %gather3A_393 = tpu.vector_load_idx %arg5[%add3A_392] : memref<30000xf32, #tpu.memory_space<vmem>>[vector<16xi32>], vector<16xf32>,
      %add3A_394 = arith.constant 5 : i32
      %add3A_395 = vector.broadcast %add3A_394 : i32 to vector<16xi32>
      %add3A_396 = arith.addi %add3A_293, %add3A_395 : vector<16xi32>
      %gather3A_397 = tpu.vector_load_idx %arg5[%add3A_396] : memref<30000xf32, #tpu.memory_space<vmem>>[vector<16xi32>], vector<16xf32>,
      %add3A_398 = arith.constant 2 : i32
      %add3A_399 = vector.broadcast %add3A_398 : i32 to vector<16xi32>
      %add3A_400 = arith.addi %add3A_297, %add3A_399 : vector<16xi32>
      %gather3A_401 = tpu.vector_load_idx %arg7[%add3A_400] : memref<15000xf32, #tpu.memory_space<vmem>>[vector<16xi32>], vector<16xf32>,
      %ne3A_402 = arith.cmpf one, %gather3A_401, %gather3A_401 : vector<16xf32>
      %not3A_403 = arith.constant dense<true> : vector<16xi1>
      %not3A_404 = arith.xori %ne3A_402, %not3A_403 : vector<16xi1>
      %lt3A_405 = arith.constant 0.000000e+00 : f32
      %lt3A_406 = vector.broadcast %lt3A_405 : f32 to vector<16xf32>
      %lt3A_407 = arith.cmpf olt, %gather3A_397, %lt3A_406 : vector<16xf32>
      %and3A_408 = arith.andi %lt3A_407, %ne3A_402 : vector<16xi1>
      %sub3A_409 = arith.subf %gather3A_393, %gather3A_401 : vector<16xf32>
      %mul3A_410 = arith.mulf %sub3A_409, %sub3A_409 : vector<16xf32>
      %mul3A_411 = arith.mulf %gather3A_397, %gather3A_397 : vector<16xf32>
      %jit3A_412 = arith.constant 0.000000e+00 : f32
      %broadcast_in_dim3A_413 = vector.broadcast %jit3A_412 : f32 to vector<16xf32>
      %select_n3A_414 = arith.select %not3A_404, %mul3A_410, %broadcast_in_dim3A_413 : vector<16xi1>, vector<16xf32>
      %add3A_415 = arith.addf %scan3A_285, %select_n3A_414 : vector<16xf32>
      %jit3A_416 = arith.constant 0.000000e+00 : f32
      %broadcast_in_dim3A_417 = vector.broadcast %jit3A_416 : f32 to vector<16xf32>
      %select_n3A_418 = arith.select %not3A_404, %mul3A_411, %broadcast_in_dim3A_417 : vector<16xi1>, vector<16xf32>
      %add3A_419 = arith.addf %scan3A_286, %select_n3A_418 : vector<16xf32>
      %jit3A_420 = arith.constant 1.000000e+00 : f32
      %jit3A_421 = arith.constant 0.000000e+00 : f32
      %broadcast_in_dim3A_422 = vector.broadcast %jit3A_420 : f32 to vector<16xf32>
      %broadcast_in_dim3A_423 = vector.broadcast %jit3A_421 : f32 to vector<16xf32>
      %select_n3A_424 = arith.select %not3A_404, %broadcast_in_dim3A_422, %broadcast_in_dim3A_423 : vector<16xi1>, vector<16xf32>
      %add3A_425 = arith.addf %scan3A_287, %select_n3A_424 : vector<16xf32>
      %jit3A_426 = arith.constant 0.000000e+00 : f32
      %broadcast_in_dim3A_427 = vector.broadcast %jit3A_426 : f32 to vector<16xf32>
      %select_n3A_428 = arith.select %and3A_408, %mul3A_411, %broadcast_in_dim3A_427 : vector<16xi1>, vector<16xf32>
      %add3A_429 = arith.addf %scan3A_288, %select_n3A_428 : vector<16xf32>
      %jit3A_430 = arith.constant 1.000000e+00 : f32
      %jit3A_431 = arith.constant 0.000000e+00 : f32
      %broadcast_in_dim3A_432 = vector.broadcast %jit3A_430 : f32 to vector<16xf32>
      %broadcast_in_dim3A_433 = vector.broadcast %jit3A_431 : f32 to vector<16xf32>
      %select_n3A_434 = arith.select %and3A_408, %broadcast_in_dim3A_432, %broadcast_in_dim3A_433 : vector<16xi1>, vector<16xf32>
      %add3A_435 = arith.addf %scan3A_289, %select_n3A_434 : vector<16xf32>
      scf.yield %add3A_323, %add3A_327, %add3A_333, %add3A_337, %add3A_343, %add3A_369, %add3A_373, %add3A_379, %add3A_383, %add3A_389, %add3A_415, %add3A_419, %add3A_425, %add3A_429, %add3A_435 : vector<16xf32>, vector<16xf32>, vector<16xf32>, vector<16xf32>, vector<16xf32>, vector<16xf32>, vector<16xf32>, vector<16xf32>, vector<16xf32>, vector<16xf32>, vector<16xf32>, vector<16xf32>, vector<16xf32>, vector<16xf32>, vector<16xf32>
    }
    %scan3A_64 = arith.constant 312 : i32
    %add3A_65 = arith.constant 29952 : i32
    %add3A_66 = vector.broadcast %add3A_65 : i32 to vector<16xi32>
    %add3A_67 = arith.addi %mul3A_55, %add3A_66 : vector<16xi32>
    %min3A = arith.constant 29994 : i32
    %min3A_68 = vector.broadcast %min3A : i32 to vector<16xi32>
    %min3A_69 = arith.minsi %add3A_67, %min3A_68 : vector<16xi32>
    %add3A_70 = arith.constant 14976 : i32
    %add3A_71 = vector.broadcast %add3A_70 : i32 to vector<16xi32>
    %add3A_72 = arith.addi %mul3A_58, %add3A_71 : vector<16xi32>
    %min3A_73 = arith.constant 14997 : i32
    %min3A_74 = vector.broadcast %min3A_73 : i32 to vector<16xi32>
    %min3A_75 = arith.minsi %add3A_72, %min3A_74 : vector<16xi32>
    %lt3A = arith.constant 8 : i32
    %lt3A_76 = vector.broadcast %lt3A : i32 to vector<16xi32>
    %lt3A_77 = arith.cmpi slt, %iota3A, %lt3A_76 : vector<16xi32>
    %add3A_78 = arith.constant 0 : i32
    %add3A_79 = vector.broadcast %add3A_78 : i32 to vector<16xi32>
    %add3A_80 = arith.addi %min3A_69, %add3A_79 : vector<16xi32>
    %gather3A = tpu.vector_load_idx %arg5[%add3A_80] : memref<30000xf32, #tpu.memory_space<vmem>>[vector<16xi32>], vector<16xf32>,
    %add3A_81 = arith.constant 1 : i32
    %add3A_82 = vector.broadcast %add3A_81 : i32 to vector<16xi32>
    %add3A_83 = arith.addi %min3A_69, %add3A_82 : vector<16xi32>
    %gather3A_84 = tpu.vector_load_idx %arg5[%add3A_83] : memref<30000xf32, #tpu.memory_space<vmem>>[vector<16xi32>], vector<16xf32>,
    %add3A_85 = arith.constant 0 : i32
    %add3A_86 = vector.broadcast %add3A_85 : i32 to vector<16xi32>
    %add3A_87 = arith.addi %min3A_75, %add3A_86 : vector<16xi32>
    %gather3A_88 = tpu.vector_load_idx %arg7[%add3A_87] : memref<15000xf32, #tpu.memory_space<vmem>>[vector<16xi32>], vector<16xf32>,
    %ne3A = arith.cmpf one, %gather3A_88, %gather3A_88 : vector<16xf32>
    %not3A = arith.constant dense<true> : vector<16xi1>
    %not3A_89 = arith.xori %ne3A, %not3A : vector<16xi1>
    %and3A = arith.andi %not3A_89, %lt3A_77 : vector<16xi1>
    %and3A_90 = arith.andi %ne3A, %lt3A_77 : vector<16xi1>
    %lt3A_91 = arith.constant 0.000000e+00 : f32
    %lt3A_92 = vector.broadcast %lt3A_91 : f32 to vector<16xf32>
    %lt3A_93 = arith.cmpf olt, %gather3A_84, %lt3A_92 : vector<16xf32>
    %and3A_94 = arith.andi %lt3A_93, %and3A_90 : vector<16xi1>
    %sub3A = arith.subf %gather3A, %gather3A_88 : vector<16xf32>
    %mul3A_95 = arith.mulf %sub3A, %sub3A : vector<16xf32>
    %mul3A_96 = arith.mulf %gather3A_84, %gather3A_84 : vector<16xf32>
    %jit3A = arith.constant 0.000000e+00 : f32
    %broadcast_in_dim3A_97 = vector.broadcast %jit3A : f32 to vector<16xf32>
    %select_n3A = arith.select %and3A, %mul3A_95, %broadcast_in_dim3A_97 : vector<16xi1>, vector<16xf32>
    %add3A_98 = arith.addf %scan3A_63#0, %select_n3A : vector<16xf32>
    %jit3A_99 = arith.constant 0.000000e+00 : f32
    %broadcast_in_dim3A_100 = vector.broadcast %jit3A_99 : f32 to vector<16xf32>
    %select_n3A_101 = arith.select %and3A, %mul3A_96, %broadcast_in_dim3A_100 : vector<16xi1>, vector<16xf32>
    %add3A_102 = arith.addf %scan3A_63#1, %select_n3A_101 : vector<16xf32>
    %jit3A_103 = arith.constant 1.000000e+00 : f32
    %jit3A_104 = arith.constant 0.000000e+00 : f32
    %broadcast_in_dim3A_105 = vector.broadcast %jit3A_103 : f32 to vector<16xf32>
    %broadcast_in_dim3A_106 = vector.broadcast %jit3A_104 : f32 to vector<16xf32>
    %select_n3A_107 = arith.select %and3A, %broadcast_in_dim3A_105, %broadcast_in_dim3A_106 : vector<16xi1>, vector<16xf32>
    %add3A_108 = arith.addf %scan3A_63#2, %select_n3A_107 : vector<16xf32>
    %jit3A_109 = arith.constant 0.000000e+00 : f32
    %broadcast_in_dim3A_110 = vector.broadcast %jit3A_109 : f32 to vector<16xf32>
    %select_n3A_111 = arith.select %and3A_94, %mul3A_96, %broadcast_in_dim3A_110 : vector<16xi1>, vector<16xf32>
    %add3A_112 = arith.addf %scan3A_63#3, %select_n3A_111 : vector<16xf32>
    %jit3A_113 = arith.constant 1.000000e+00 : f32
    %jit3A_114 = arith.constant 0.000000e+00 : f32
    %broadcast_in_dim3A_115 = vector.broadcast %jit3A_113 : f32 to vector<16xf32>
    %broadcast_in_dim3A_116 = vector.broadcast %jit3A_114 : f32 to vector<16xf32>
    %select_n3A_117 = arith.select %and3A_94, %broadcast_in_dim3A_115, %broadcast_in_dim3A_116 : vector<16xi1>, vector<16xf32>
    %add3A_118 = arith.addf %scan3A_63#4, %select_n3A_117 : vector<16xf32>
    %add3A_119 = arith.constant 2 : i32
    %add3A_120 = vector.broadcast %add3A_119 : i32 to vector<16xi32>
    %add3A_121 = arith.addi %min3A_69, %add3A_120 : vector<16xi32>
    %gather3A_122 = tpu.vector_load_idx %arg5[%add3A_121] : memref<30000xf32, #tpu.memory_space<vmem>>[vector<16xi32>], vector<16xf32>,
    %add3A_123 = arith.constant 3 : i32
    %add3A_124 = vector.broadcast %add3A_123 : i32 to vector<16xi32>
    %add3A_125 = arith.addi %min3A_69, %add3A_124 : vector<16xi32>
    %gather3A_126 = tpu.vector_load_idx %arg5[%add3A_125] : memref<30000xf32, #tpu.memory_space<vmem>>[vector<16xi32>], vector<16xf32>,
    %add3A_127 = arith.constant 1 : i32
    %add3A_128 = vector.broadcast %add3A_127 : i32 to vector<16xi32>
    %add3A_129 = arith.addi %min3A_75, %add3A_128 : vector<16xi32>
    %gather3A_130 = tpu.vector_load_idx %arg7[%add3A_129] : memref<15000xf32, #tpu.memory_space<vmem>>[vector<16xi32>], vector<16xf32>,
    %ne3A_131 = arith.cmpf one, %gather3A_130, %gather3A_130 : vector<16xf32>
    %not3A_132 = arith.constant dense<true> : vector<16xi1>
    %not3A_133 = arith.xori %ne3A_131, %not3A_132 : vector<16xi1>
    %and3A_134 = arith.andi %not3A_133, %lt3A_77 : vector<16xi1>
    %and3A_135 = arith.andi %ne3A_131, %lt3A_77 : vector<16xi1>
    %lt3A_136 = arith.constant 0.000000e+00 : f32
    %lt3A_137 = vector.broadcast %lt3A_136 : f32 to vector<16xf32>
    %lt3A_138 = arith.cmpf olt, %gather3A_126, %lt3A_137 : vector<16xf32>
    %and3A_139 = arith.andi %lt3A_138, %and3A_135 : vector<16xi1>
    %sub3A_140 = arith.subf %gather3A_122, %gather3A_130 : vector<16xf32>
    %mul3A_141 = arith.mulf %sub3A_140, %sub3A_140 : vector<16xf32>
    %mul3A_142 = arith.mulf %gather3A_126, %gather3A_126 : vector<16xf32>
    %jit3A_143 = arith.constant 0.000000e+00 : f32
    %broadcast_in_dim3A_144 = vector.broadcast %jit3A_143 : f32 to vector<16xf32>
    %select_n3A_145 = arith.select %and3A_134, %mul3A_141, %broadcast_in_dim3A_144 : vector<16xi1>, vector<16xf32>
    %add3A_146 = arith.addf %scan3A_63#5, %select_n3A_145 : vector<16xf32>
    %jit3A_147 = arith.constant 0.000000e+00 : f32
    %broadcast_in_dim3A_148 = vector.broadcast %jit3A_147 : f32 to vector<16xf32>
    %select_n3A_149 = arith.select %and3A_134, %mul3A_142, %broadcast_in_dim3A_148 : vector<16xi1>, vector<16xf32>
    %add3A_150 = arith.addf %scan3A_63#6, %select_n3A_149 : vector<16xf32>
    %jit3A_151 = arith.constant 1.000000e+00 : f32
    %jit3A_152 = arith.constant 0.000000e+00 : f32
    %broadcast_in_dim3A_153 = vector.broadcast %jit3A_151 : f32 to vector<16xf32>
    %broadcast_in_dim3A_154 = vector.broadcast %jit3A_152 : f32 to vector<16xf32>
    %select_n3A_155 = arith.select %and3A_134, %broadcast_in_dim3A_153, %broadcast_in_dim3A_154 : vector<16xi1>, vector<16xf32>
    %add3A_156 = arith.addf %scan3A_63#7, %select_n3A_155 : vector<16xf32>
    %jit3A_157 = arith.constant 0.000000e+00 : f32
    %broadcast_in_dim3A_158 = vector.broadcast %jit3A_157 : f32 to vector<16xf32>
    %select_n3A_159 = arith.select %and3A_139, %mul3A_142, %broadcast_in_dim3A_158 : vector<16xi1>, vector<16xf32>
    %add3A_160 = arith.addf %scan3A_63#8, %select_n3A_159 : vector<16xf32>
    %jit3A_161 = arith.constant 1.000000e+00 : f32
    %jit3A_162 = arith.constant 0.000000e+00 : f32
    %broadcast_in_dim3A_163 = vector.broadcast %jit3A_161 : f32 to vector<16xf32>
    %broadcast_in_dim3A_164 = vector.broadcast %jit3A_162 : f32 to vector<16xf32>
    %select_n3A_165 = arith.select %and3A_139, %broadcast_in_dim3A_163, %broadcast_in_dim3A_164 : vector<16xi1>, vector<16xf32>
    %add3A_166 = arith.addf %scan3A_63#9, %select_n3A_165 : vector<16xf32>
    %add3A_167 = arith.constant 4 : i32
    %add3A_168 = vector.broadcast %add3A_167 : i32 to vector<16xi32>
    %add3A_169 = arith.addi %min3A_69, %add3A_168 : vector<16xi32>
    %gather3A_170 = tpu.vector_load_idx %arg5[%add3A_169] : memref<30000xf32, #tpu.memory_space<vmem>>[vector<16xi32>], vector<16xf32>,
    %add3A_171 = arith.constant 5 : i32
    %add3A_172 = vector.broadcast %add3A_171 : i32 to vector<16xi32>
    %add3A_173 = arith.addi %min3A_69, %add3A_172 : vector<16xi32>
    %gather3A_174 = tpu.vector_load_idx %arg5[%add3A_173] : memref<30000xf32, #tpu.memory_space<vmem>>[vector<16xi32>], vector<16xf32>,
    %add3A_175 = arith.constant 2 : i32
    %add3A_176 = vector.broadcast %add3A_175 : i32 to vector<16xi32>
    %add3A_177 = arith.addi %min3A_75, %add3A_176 : vector<16xi32>
    %gather3A_178 = tpu.vector_load_idx %arg7[%add3A_177] : memref<15000xf32, #tpu.memory_space<vmem>>[vector<16xi32>], vector<16xf32>,
    %ne3A_179 = arith.cmpf one, %gather3A_178, %gather3A_178 : vector<16xf32>
    %not3A_180 = arith.constant dense<true> : vector<16xi1>
    %not3A_181 = arith.xori %ne3A_179, %not3A_180 : vector<16xi1>
    %and3A_182 = arith.andi %not3A_181, %lt3A_77 : vector<16xi1>
    %and3A_183 = arith.andi %ne3A_179, %lt3A_77 : vector<16xi1>
    %lt3A_184 = arith.constant 0.000000e+00 : f32
    %lt3A_185 = vector.broadcast %lt3A_184 : f32 to vector<16xf32>
    %lt3A_186 = arith.cmpf olt, %gather3A_174, %lt3A_185 : vector<16xf32>
    %and3A_187 = arith.andi %lt3A_186, %and3A_183 : vector<16xi1>
    %sub3A_188 = arith.subf %gather3A_170, %gather3A_178 : vector<16xf32>
    %mul3A_189 = arith.mulf %sub3A_188, %sub3A_188 : vector<16xf32>
    %mul3A_190 = arith.mulf %gather3A_174, %gather3A_174 : vector<16xf32>
    %jit3A_191 = arith.constant 0.000000e+00 : f32
    %broadcast_in_dim3A_192 = vector.broadcast %jit3A_191 : f32 to vector<16xf32>
    %select_n3A_193 = arith.select %and3A_182, %mul3A_189, %broadcast_in_dim3A_192 : vector<16xi1>, vector<16xf32>
    %add3A_194 = arith.addf %scan3A_63#10, %select_n3A_193 : vector<16xf32>
    %jit3A_195 = arith.constant 0.000000e+00 : f32
    %broadcast_in_dim3A_196 = vector.broadcast %jit3A_195 : f32 to vector<16xf32>
    %select_n3A_197 = arith.select %and3A_182, %mul3A_190, %broadcast_in_dim3A_196 : vector<16xi1>, vector<16xf32>
    %add3A_198 = arith.addf %scan3A_63#11, %select_n3A_197 : vector<16xf32>
    %jit3A_199 = arith.constant 1.000000e+00 : f32
    %jit3A_200 = arith.constant 0.000000e+00 : f32
    %broadcast_in_dim3A_201 = vector.broadcast %jit3A_199 : f32 to vector<16xf32>
    %broadcast_in_dim3A_202 = vector.broadcast %jit3A_200 : f32 to vector<16xf32>
    %select_n3A_203 = arith.select %and3A_182, %broadcast_in_dim3A_201, %broadcast_in_dim3A_202 : vector<16xi1>, vector<16xf32>
    %add3A_204 = arith.addf %scan3A_63#12, %select_n3A_203 : vector<16xf32>
    %jit3A_205 = arith.constant 0.000000e+00 : f32
    %broadcast_in_dim3A_206 = vector.broadcast %jit3A_205 : f32 to vector<16xf32>
    %select_n3A_207 = arith.select %and3A_187, %mul3A_190, %broadcast_in_dim3A_206 : vector<16xi1>, vector<16xf32>
    %add3A_208 = arith.addf %scan3A_63#13, %select_n3A_207 : vector<16xf32>
    %jit3A_209 = arith.constant 1.000000e+00 : f32
    %jit3A_210 = arith.constant 0.000000e+00 : f32
    %broadcast_in_dim3A_211 = vector.broadcast %jit3A_209 : f32 to vector<16xf32>
    %broadcast_in_dim3A_212 = vector.broadcast %jit3A_210 : f32 to vector<16xf32>
    %select_n3A_213 = arith.select %and3A_187, %broadcast_in_dim3A_211, %broadcast_in_dim3A_212 : vector<16xi1>, vector<16xf32>
    %add3A_214 = arith.addf %scan3A_63#14, %select_n3A_213 : vector<16xf32>
    %swap3A = arith.constant 0 : i32
    %swap3A_215 = arith.index_cast %swap3A : i32 to index
    %swap3A_216 = arith.constant 0 : index
    %swap3A_217 = tpu.vector_load %arg9[%swap3A_215, %swap3A_216] {strides = array<i32>} : memref<15x16xf32, #tpu.memory_space<vmem>>, vector<16xf32>,
    tpu.vector_store %arg9[%swap3A_215, %swap3A_216], %add3A_98 {strides = array<i32>} : memref<15x16xf32, #tpu.memory_space<vmem>>, vector<16xf32>,
    %swap3A_218 = arith.constant 1 : i32
    %swap3A_219 = arith.index_cast %swap3A_218 : i32 to index
    %swap3A_220 = arith.constant 0 : index
    %swap3A_221 = tpu.vector_load %arg9[%swap3A_219, %swap3A_220] {strides = array<i32>} : memref<15x16xf32, #tpu.memory_space<vmem>>, vector<16xf32>,
    tpu.vector_store %arg9[%swap3A_219, %swap3A_220], %add3A_102 {strides = array<i32>} : memref<15x16xf32, #tpu.memory_space<vmem>>, vector<16xf32>,
    %swap3A_222 = arith.constant 2 : i32
    %swap3A_223 = arith.index_cast %swap3A_222 : i32 to index
    %swap3A_224 = arith.constant 0 : index
    %swap3A_225 = tpu.vector_load %arg9[%swap3A_223, %swap3A_224] {strides = array<i32>} : memref<15x16xf32, #tpu.memory_space<vmem>>, vector<16xf32>,
    tpu.vector_store %arg9[%swap3A_223, %swap3A_224], %add3A_108 {strides = array<i32>} : memref<15x16xf32, #tpu.memory_space<vmem>>, vector<16xf32>,
    %swap3A_226 = arith.constant 3 : i32
    %swap3A_227 = arith.index_cast %swap3A_226 : i32 to index
    %swap3A_228 = arith.constant 0 : index
    %swap3A_229 = tpu.vector_load %arg9[%swap3A_227, %swap3A_228] {strides = array<i32>} : memref<15x16xf32, #tpu.memory_space<vmem>>, vector<16xf32>,
    tpu.vector_store %arg9[%swap3A_227, %swap3A_228], %add3A_112 {strides = array<i32>} : memref<15x16xf32, #tpu.memory_space<vmem>>, vector<16xf32>,
    %swap3A_230 = arith.constant 4 : i32
    %swap3A_231 = arith.index_cast %swap3A_230 : i32 to index
    %swap3A_232 = arith.constant 0 : index
    %swap3A_233 = tpu.vector_load %arg9[%swap3A_231, %swap3A_232] {strides = array<i32>} : memref<15x16xf32, #tpu.memory_space<vmem>>, vector<16xf32>,
    tpu.vector_store %arg9[%swap3A_231, %swap3A_232], %add3A_118 {strides = array<i32>} : memref<15x16xf32, #tpu.memory_space<vmem>>, vector<16xf32>,
    %swap3A_234 = arith.constant 5 : i32
    %swap3A_235 = arith.index_cast %swap3A_234 : i32 to index
    %swap3A_236 = arith.constant 0 : index
    %swap3A_237 = tpu.vector_load %arg9[%swap3A_235, %swap3A_236] {strides = array<i32>} : memref<15x16xf32, #tpu.memory_space<vmem>>, vector<16xf32>,
    tpu.vector_store %arg9[%swap3A_235, %swap3A_236], %add3A_146 {strides = array<i32>} : memref<15x16xf32, #tpu.memory_space<vmem>>, vector<16xf32>,
    %swap3A_238 = arith.constant 6 : i32
    %swap3A_239 = arith.index_cast %swap3A_238 : i32 to index
    %swap3A_240 = arith.constant 0 : index
    %swap3A_241 = tpu.vector_load %arg9[%swap3A_239, %swap3A_240] {strides = array<i32>} : memref<15x16xf32, #tpu.memory_space<vmem>>, vector<16xf32>,
    tpu.vector_store %arg9[%swap3A_239, %swap3A_240], %add3A_150 {strides = array<i32>} : memref<15x16xf32, #tpu.memory_space<vmem>>, vector<16xf32>,
    %swap3A_242 = arith.constant 7 : i32
    %swap3A_243 = arith.index_cast %swap3A_242 : i32 to index
    %swap3A_244 = arith.constant 0 : index
    %swap3A_245 = tpu.vector_load %arg9[%swap3A_243, %swap3A_244] {strides = array<i32>} : memref<15x16xf32, #tpu.memory_space<vmem>>, vector<16xf32>,
    tpu.vector_store %arg9[%swap3A_243, %swap3A_244], %add3A_156 {strides = array<i32>} : memref<15x16xf32, #tpu.memory_space<vmem>>, vector<16xf32>,
    %swap3A_246 = arith.constant 8 : i32
    %swap3A_247 = arith.index_cast %swap3A_246 : i32 to index
    %swap3A_248 = arith.constant 0 : index
    %swap3A_249 = tpu.vector_load %arg9[%swap3A_247, %swap3A_248] {strides = array<i32>} : memref<15x16xf32, #tpu.memory_space<vmem>>, vector<16xf32>,
    tpu.vector_store %arg9[%swap3A_247, %swap3A_248], %add3A_160 {strides = array<i32>} : memref<15x16xf32, #tpu.memory_space<vmem>>, vector<16xf32>,
    %swap3A_250 = arith.constant 9 : i32
    %swap3A_251 = arith.index_cast %swap3A_250 : i32 to index
    %swap3A_252 = arith.constant 0 : index
    %swap3A_253 = tpu.vector_load %arg9[%swap3A_251, %swap3A_252] {strides = array<i32>} : memref<15x16xf32, #tpu.memory_space<vmem>>, vector<16xf32>,
    tpu.vector_store %arg9[%swap3A_251, %swap3A_252], %add3A_166 {strides = array<i32>} : memref<15x16xf32, #tpu.memory_space<vmem>>, vector<16xf32>,
    %swap3A_254 = arith.constant 10 : i32
    %swap3A_255 = arith.index_cast %swap3A_254 : i32 to index
    %swap3A_256 = arith.constant 0 : index
    %swap3A_257 = tpu.vector_load %arg9[%swap3A_255, %swap3A_256] {strides = array<i32>} : memref<15x16xf32, #tpu.memory_space<vmem>>, vector<16xf32>,
    tpu.vector_store %arg9[%swap3A_255, %swap3A_256], %add3A_194 {strides = array<i32>} : memref<15x16xf32, #tpu.memory_space<vmem>>, vector<16xf32>,
    %swap3A_258 = arith.constant 11 : i32
    %swap3A_259 = arith.index_cast %swap3A_258 : i32 to index
    %swap3A_260 = arith.constant 0 : index
    %swap3A_261 = tpu.vector_load %arg9[%swap3A_259, %swap3A_260] {strides = array<i32>} : memref<15x16xf32, #tpu.memory_space<vmem>>, vector<16xf32>,
    tpu.vector_store %arg9[%swap3A_259, %swap3A_260], %add3A_198 {strides = array<i32>} : memref<15x16xf32, #tpu.memory_space<vmem>>, vector<16xf32>,
    %swap3A_262 = arith.constant 12 : i32
    %swap3A_263 = arith.index_cast %swap3A_262 : i32 to index
    %swap3A_264 = arith.constant 0 : index
    %swap3A_265 = tpu.vector_load %arg9[%swap3A_263, %swap3A_264] {strides = array<i32>} : memref<15x16xf32, #tpu.memory_space<vmem>>, vector<16xf32>,
    tpu.vector_store %arg9[%swap3A_263, %swap3A_264], %add3A_204 {strides = array<i32>} : memref<15x16xf32, #tpu.memory_space<vmem>>, vector<16xf32>,
    %swap3A_266 = arith.constant 13 : i32
    %swap3A_267 = arith.index_cast %swap3A_266 : i32 to index
    %swap3A_268 = arith.constant 0 : index
    %swap3A_269 = tpu.vector_load %arg9[%swap3A_267, %swap3A_268] {strides = array<i32>} : memref<15x16xf32, #tpu.memory_space<vmem>>, vector<16xf32>,
    tpu.vector_store %arg9[%swap3A_267, %swap3A_268], %add3A_208 {strides = array<i32>} : memref<15x16xf32, #tpu.memory_space<vmem>>, vector<16xf32>,
    %swap3A_270 = arith.constant 14 : i32
    %swap3A_271 = arith.index_cast %swap3A_270 : i32 to index
    %swap3A_272 = arith.constant 0 : index
    %swap3A_273 = tpu.vector_load %arg9[%swap3A_271, %swap3A_272] {strides = array<i32>} : memref<15x16xf32, #tpu.memory_space<vmem>>, vector<16xf32>,
    tpu.vector_store %arg9[%swap3A_271, %swap3A_272], %add3A_214 {strides = array<i32>} : memref<15x16xf32, #tpu.memory_space<vmem>>, vector<16xf32>,
    "tpu.region"() ({
      %run_scoped3A = tpu.sem_alloc : memref<!tpu.dma_semaphore, #tpu.memory_space<semaphore_mem>>
      %dma_start3A_274 = arith.constant 0 : i32
      %dma_start3A_275 = arith.constant 0 : i32
      %dma_start3A_276 = tpu.memref_slice %arg4[%add3A, %dma_start3A_274, %dma_start3A_275] : memref<32x15x16xf32, #tpu.memory_space<hbm>> -> memref<1x15x16xf32, #tpu.memory_space<hbm>>
      %dma_start3A_277 = tpu.memref_squeeze %dma_start3A_276 : memref<1x15x16xf32, #tpu.memory_space<hbm>> -> memref<15x16xf32, #tpu.memory_space<hbm>>
      %dma_start3A_278 = arith.constant 0 : i32
      %dma_start3A_279 = arith.constant 0 : i32
      %dma_start3A_280 = tpu.memref_slice %arg4[%add3A, %dma_start3A_278, %dma_start3A_279] : memref<32x15x16xf32, #tpu.memory_space<hbm>> -> memref<1x15x16xf32, #tpu.memory_space<hbm>>
      %dma_start3A_281 = tpu.memref_squeeze %dma_start3A_280 : memref<1x15x16xf32, #tpu.memory_space<hbm>> -> memref<15x16xf32, #tpu.memory_space<hbm>>
      tpu.enqueue_dma source(%arg9 : memref<15x16xf32, #tpu.memory_space<vmem>>) target(%dma_start3A_281 : memref<15x16xf32, #tpu.memory_space<hbm>>) target_semaphore(%run_scoped3A : memref<!tpu.dma_semaphore, #tpu.memory_space<semaphore_mem>>)
      %dma_wait3A_282 = arith.constant 0 : i32
      %dma_wait3A_283 = arith.constant 0 : i32
      %dma_wait3A_284 = tpu.memref_slice %arg4[%add3A, %dma_wait3A_282, %dma_wait3A_283] : memref<32x15x16xf32, #tpu.memory_space<hbm>> -> memref<1x15x16xf32, #tpu.memory_space<hbm>>
      %dma_wait3A_285 = tpu.memref_squeeze %dma_wait3A_284 : memref<1x15x16xf32, #tpu.memory_space<hbm>> -> memref<15x16xf32, #tpu.memory_space<hbm>>
      %dma_wait3A_286 = arith.constant 0 : i32
      %dma_wait3A_287 = arith.constant 0 : i32
      %dma_wait3A_288 = tpu.memref_slice %arg4[%add3A, %dma_wait3A_286, %dma_wait3A_287] : memref<32x15x16xf32, #tpu.memory_space<hbm>> -> memref<1x15x16xf32, #tpu.memory_space<hbm>>
      %dma_wait3A_289 = tpu.memref_squeeze %dma_wait3A_288 : memref<1x15x16xf32, #tpu.memory_space<hbm>> -> memref<15x16xf32, #tpu.memory_space<hbm>>
      tpu.wait_dma2 semaphore(%run_scoped3A : memref<!tpu.dma_semaphore, #tpu.memory_space<semaphore_mem>>) src(%arg9 : memref<15x16xf32, #tpu.memory_space<vmem>>) dst(%dma_wait3A_289 : memref<15x16xf32, #tpu.memory_space<hbm>>)
      tpu.yield
    }) : () -> ()
    return
  }
}

</mosaic_0001>

<sc_bundles>
// kernel: _sc_partials.3.cloned.1.call-start
scs
__scs_entry_jumppad:
0x0: {  	(pc) =	sbr.rel $0x88, $3  }
0x1: {  	(tag) =	ssettag $0x0;
	lr =	simm.s32 $0x1  }
0x2: {  	[smem:$0x3F9F] =	sst lr;
	_ =	strace $0xD0000000  }
0x3: {  	_ = 	snop  }
0x4: {  	_ = 	snop  }
0x5: {  	_ = 	snop  }
0x6: {  	_ = 	snop  }
0x7: {  	_ = 	snop  }
__scs_overlays_trampoline_lowered:
0x8: {  	[smem:$0x3FAE] =	sst s0  }
0x9: {  	[smem:$0x3FAF] =	sst s1  }
0xa: {  	[smem:$0x3FB0] =	sst s2  }
0xb: {  	[smem:$0x3FB1] =	sst s3  }
0xc: {  	[smem:$0x3FB2] =	sst s4  }
0xd: {  	[smem:$0x3FB3] =	sst s5  }
0xe: {  	[smem:$0x3FB4] =	sst s6  }
0xf: {  	[smem:$0x3FB5] =	sst s7  }
0x10: {  	[smem:$0x3FB6] =	sst s8  }
0x11: {  	[smem:$0x3FB7] =	sst s9;
	s0 =	simm.s32 @!p0 $0x0  }
0x12: {  	s1 =	sld [smem:$0x3F9D];
	s0 =	simm.s32 @p0 $0x1  }
0x13: {  	[smem:$0x3FB8] =	sst s0;
	s0 =	simm.s32 @!p1 $0x0  }
0x14: {  	s2 =	sld [smem:$0x3F9C];
	s0 =	simm.s32 @p1 $0x1  }
0x15: {  	[smem:$0x3FB9] =	sst s0;
	s0 =	simm.s32 @!p2 $0x0  }
0x16: {  	s3 =	sld [smem:$0x3FDB];
	s0 =	simm.s32 @p2 $0x1  }
0x17: {  	s4 =	simm.s32 $0x1BF5;
	[smem:$0x3FBB] =	sst s0  }
0x18: {  	s0 =	sld [smem:$0x3F9E];
	_ =	swait.ge [sflag:s4], $0x0  }
0x19: {  	s7 =	sld [smem:$0x3F9F]  }
0x1a: {  	s8 =	sadd.s32 $0xFFFFE003, lr  }
0x1b: {  	s9 =	sadd.s32 $0xFFFFFEF7, lr;
	s5 =	simm.s32 $0xFFFFFFFF;
	p2 =	slt.u32 s8, $0xFFFFF086  }
0x1c: {  	p1 =	slt.u32 s9, $0xF7A;
	s5 =	simm.s32 @!p2 $0x0  }
0x1d: {  	s5 =	simm.s32 @p1 $0x1;
	p0 =	seq.s32 s7, s2  }
0x1e: {  	s7 =	smul.u32 @!p0 $0xF7A, s2;
	p2 =	seq.s32 @!p0 s5, $0x0  }
0x1f: {  	s9 =	smul.u32 $0xF7A, s1;
	s8 =	simm.s32 @!p0 $0x1BF5;
	p2 =	por !p2, p0  }
0x20: {  	[sflag:s8] =	ssyncset.s32 @!p0 $0xFFFFF086;
	s6 =	sadd.s32 @!p0 s3, s7;
	s7 =	simm.s32 @!p0 $0x108  }
0x21: {  	s3 =	sadd.s32 s3, s9;
	s6 =	sadd.s32 @!p0 $0x88, s6;
	s7 =	simm.s32 @p2 $0x1082  }
0x22: {  	[simem:s7], [sflag:s8] =	dma.local @!p0 [hbm:s6], $0xF7A  }
0x23: {  	s9 =	sor.u32 $0xD0000000, s2;
	s6 =	simm.s32 $0x108;
	_ =	swait.ge @!p0 [sflag:s8], $0x0  }
0x24: {  	s3 =	sadd.s32 $0x88, s3;
	s6 =	simm.s32 @!p1 $0x1082;
	[sflag:s4] =	ssyncset.s32 $0xFFFFF086  }
0x25: {  	[simem:s6], [sflag:s4] =	dma.local [hbm:s3], $0xF7A  }
0x26: {  	[smem:$0x3F9F] =	sst s1;
	(tag) =	ssettag s2;
	_ =	strace s9  }
0x27: {  	s1 =	sld [smem:$0x3FAF]  }
0x28: {  	s2 =	sld [smem:$0x3FB0]  }
0x29: {  	s4 =	sld [smem:$0x3FB2]  }
0x2a: {  	p0 =	seq.s32 s5, $0x0;
	s5 =	sld [smem:$0x3FB3]  }
0x2b: {  	s6 =	sld [smem:$0x3FB4]  }
0x2c: {  	s7 =	sld [smem:$0x3FB5]  }
0x2d: {  	s3 =	simm.s32 $0x108;
	s8 =	sld [smem:$0x3FB6]  }
0x2e: {  	s3 =	simm.s32 @!p0 $0x1082;
	s9 =	sld [smem:$0x3FB7]  }
0x2f: {  	lr =	sadd.s32 s0, s3;
	s0 =	sld [smem:$0x3FAE]  }
0x30: {  	s3 =	sld [smem:$0x3FB1]  }
0x31: {  	[smem:$0x3FBA] =	sst s10  }
0x32: {  	s10 =	sld [smem:$0x3FB8];
	_ =	sdelay $0x3  }
0x33: {  	p0 =	seq.s32 s10, $0x1;
	s10 =	sld [smem:$0x3FBA];
	_ =	sdelay $0x3  }
0x34: {  	[smem:$0x3FBA] =	sst s10  }
0x35: {  	s10 =	sld [smem:$0x3FB9];
	_ =	sdelay $0x3  }
0x36: {  	p1 =	seq.s32 s10, $0x1;
	s10 =	sld [smem:$0x3FBA];
	_ =	sdelay $0x3  }
0x37: {  	[smem:$0x3FBA] =	sst s10  }
0x38: {  	s10 =	sld [smem:$0x3FBB]  }
0x39: {  	_ = 	snop;
	(pc) =	sbr.ind lr, $3  }
0x3a: {  	_ = 	snop  }
0x3b: {  	_ = 	snop  }
0x3c: {  	p2 =	seq.s32 s10, $0x1;
	s10 =	sld [smem:$0x3FBA]  }
0x3d: {  	_ =	shalt  }
0x3e: {  	_ =	shalt  }
0x3f: {  	_ =	shalt  }
0x40: {  	_ =	shalt  }
0x41: {  	_ =	shalt  }
0x42: {  	_ =	shalt  }
0x43: {  	_ =	shalt  }
0x44: {  	_ =	shalt  }
0x45: {  	_ =	shalt  }
0x46: {  	_ =	shalt  }
0x47: {  	_ =	shalt  }
0x48: {  	_ =	shalt  }
0x49: {  	_ =	shalt  }
0x4a: {  	_ =	shalt  }
0x4b: {  	_ =	shalt  }
0x4c: {  	_ =	shalt  }
0x4d: {  	_ =	shalt  }
0x4e: {  	_ =	shalt  }
0x4f: {  	_ =	shalt  }
0x50: {  	_ =	shalt  }
0x51: {  	_ =	shalt  }
0x52: {  	_ =	shalt  }
0x53: {  	_ =	shalt  }
0x54: {  	_ =	shalt  }
0x55: {  	_ =	shalt  }
0x56: {  	_ =	shalt  }
0x57: {  	_ =	shalt  }
0x58: {  	_ =	shalt  }
0x59: {  	_ =	shalt  }
0x5a: {  	_ =	shalt  }
0x5b: {  	_ =	shalt  }
0x5c: {  	_ =	shalt  }
0x5d: {  	_ =	shalt  }
0x5e: {  	_ =	shalt  }
0x5f: {  	_ =	shalt  }
0x60: {  	_ =	shalt  }
0x61: {  	_ =	shalt  }
0x62: {  	_ =	shalt  }
0x63: {  	_ =	shalt  }
0x64: {  	_ =	shalt  }
0x65: {  	_ =	shalt  }
0x66: {  	_ =	shalt  }
0x67: {  	_ =	shalt  }
0x68: {  	_ =	shalt  }
0x69: {  	_ =	shalt  }
0x6a: {  	_ =	shalt  }
0x6b: {  	_ =	shalt  }
0x6c: {  	_ =	shalt  }
0x6d: {  	_ =	shalt  }
0x6e: {  	_ =	shalt  }
0x6f: {  	_ =	shalt  }
0x70: {  	_ =	shalt  }
0x71: {  	_ =	shalt  }
0x72: {  	_ =	shalt  }
0x73: {  	_ =	shalt  }
0x74: {  	_ =	shalt  }
0x75: {  	_ =	shalt  }
0x76: {  	_ =	shalt  }
0x77: {  	_ =	shalt  }
0x78: {  	_ =	shalt  }
0x79: {  	_ =	shalt  }
0x7a: {  	_ =	shalt  }
0x7b: {  	_ =	shalt  }
0x7c: {  	_ =	shalt  }
0x7d: {  	_ =	shalt  }
0x7e: {  	_ =	shalt  }
0x7f: {  	_ =	shalt  }
0x80: {  	_ =	shalt  }
0x81: {  	_ =	shalt  }
0x82: {  	_ =	shalt  }
0x83: {  	_ =	shalt  }
0x84: {  	_ =	shalt  }
0x85: {  	_ =	shalt  }
0x86: {  	_ =	shalt  }
0x87: {  	_ =	shalt  }
.Lfunc_end0:
.L_simem_size_0:
called_computation_lowered:
.L_overlay_start_0:
0x88: {  	s2 =	sld [smem:$0x3FD9]  }
0x89: {  	s3 =	sld [smem:$0x3FFE];
	_ =	sdelay $0x1  }
0x8a: {  	s1 =	srdreg.scid  }
0x8b: {  	s0 =	sand.u32 $0x1, s1  }
0x8c: {  	s17 =	sshll.u32 s0, $0xA;
	s2 =	sadd.s32 s3, s2  }
0x8d: {  	s2 =	sadd.s32 s2, s17  }
0x8e: {  	[smem:$0x3FC6] =	sst s2  }
0x8f: {  	_ = 	snop  }
0x90: {  	s2 =	sld [smem:$0x3FC9]  }
0x91: {  	s18 =	sld [smem:$0x3FC8];
	(tm) =	ssettm $0x1  }
0x92: {  	s4 =	sld [smem:$0x3FFB];
	_ =	sdelay $0x3  }
0x93: {  	_ =	strace s4  }
0x94: {  	s4 =	sld [smem:$0x3FFC];
	_ =	sdelay $0x3  }
0x95: {  	_ =	strace s4  }
0x96: {  	s4 =	sld [smem:$0x3FFD];
	_ =	sdelay $0x3  }
0x97: {  	_ =	strace s4  }
0x98: {  	_ =	strace $0x8FFFFFFF  }
0x99: {  	s19 =	sld [smem:$0x3FDB];
	_ =	sdelay $0x1  }
0x9a: {  	s5 =	simm.s32 $_scs_section_size  }
0x9b: {  	s6 =	simm.s32 $_size__tile_overlayer_lowered;
	s7 =	simm.s32 $_tile_overlayer_lowered  }
0x9c: {  	s22 =	simm.s32 $0x1BFF;
	s21 =	sshll.u32 s7, $0x1;
	s4 =	sadd.s32 s5, s19  }
0x9d: {  	s8 =	simm.s32 $0x0;
	s20 =	sshll.u32 s6, $0x1;
	s6 =	sadd.s32 s21, s4  }
0x9e: {  	[timem:s8], [sflag:s22] =	dma.local [hbm:s6], s20  }
0x9f: {  	_ =	swait.ge [sflag:s22], s20  }
0xa0: {  	s5 =	ssub.s32 $0x0, s20;
	[sflag:s22] =	ssyncset.done $0x0  }
0xa1: {  	[sflag:s22] =	ssyncadd.s32 s5;
	_ =	sdelay $0x1  }
0xa2: {  	s23 =	simm.s32 $0x1B8B  }
0xa3: {  	_ =	swait.ge [sflag:s23], $0x1  }
0xa4: {  	[sflag:s23] =	ssyncset.done $0x0  }
0xa5: {  	s25 =	simm.s32 $0x1B8E;
	s24 =	sld [smem:$0x3FFE];
	[sflag:s23] =	ssyncadd.s32 $0xFFFFFFFF  }
0xa6: {  	s26 =	simm.s32 $execute0_lowered;
	[smem:$0x3FD2] =	sst s25  }
0xa7: {  	s6 =	sshll.u32 s26, $0x1;
	_ =	strace $0x80000046;
	[dreg:$0x1] =	wrdreg $0xFFFFFFFF  }
0xa8: {  	s28 =	simm.s32 $_size_execute0_lowered;
	s4 =	sadd.s32 s4, s6;
	[dreg:$0x0] =	wrdreg $0x0  }
0xa9: {  	s6 =	sshll.u32 s28, $0x1;
	[dreg:$0x2] =	wrdreg s4  }
0xaa: {  	[dreg:$0x3] =	wrdreg s6  }
0xab: {  	[dreg:$0x4] =	wrdreg $0xC0  }
0xac: {  	_ =	task [dreg:s8], $0x5FFFF  }
0xad: {  	[dreg:$0x1] =	wrdreg $0xFFFFFFFF  }
0xae: {  	[dreg:$0x0] =	wrdreg $0x60  }
0xaf: {  	[dreg:$0x2] =	wrdreg s2  }
0xb0: {  	[dreg:$0x3] =	wrdreg s18  }
0xb1: {  	[dreg:$0x4] =	wrdreg s24  }
0xb2: {  	[dreg:$0x5] =	wrdreg $0x9  }
0xb3: {  	_ =	task.clear_ibuf [dreg:s8], $0x6FFFF;
	_ =	strace $0x90000046  }
0xb4: {  	s29 =	simm.s32 $0x9;
	_ =	strace $0x80000048  }
0xb5: {  	_ =	swait.ge [sflag:s29], $0x1  }
0xb6: {  	[sflag:s29] =	ssyncadd.s32 $0xFFFFFFFF  }
0xb7: {  	_ =	strace $0x90000048  }
0xb8: {  	_ =	sfence  }
0xb9: {  	s30 =	sld [smem:$0x0];
	_ =	sdelay $0x2  }
0xba: {  	s31 =	sshll.u32 s1, $0xD;
	s1 =	sshrl.u32 s1, $0x2  }
0xbb: {  	s3 =	sand.u32 $0x4000, s31;
	s1 =	sadd.s32 s1, s30  }
0xbc: {  	s0 =	sor.u32 s3, s0;
	s1 =	sshll.u32 s1, $0x11  }
0xbd: {  	s0 =	sor.u32 s1, s0  }
0xbe: {  	s0 =	sadd.s32 $0x8F2B, s0  }
0xbf: {  	[sflag:s0] =	ssyncadd.remote.s32 $0x1  }
0xc0: {  	_ =	sfence.sel $0xFFFF  }
0xc1: {  	[dreg:$0x0] =	wrdreg $0xFFFFFFFF;
	(pc) =	sbr.abs _section_cstart, $3  }
0xc2: {  	[dreg:$0x1] =	wrdreg $0xFFFFFFFF  }
0xc3: {  	_ =	task.clear_ibuf [dreg:s8], $0x2FFFF;
	_ =	strace $0x9FFFFFFF  }
0xc4: {  	(tm) =	ssettm $0x7FFFFFFF  }
0xc5: {  	_ =	shalt  }
tec
execute0_lowered:
.L_overlay_start_1:
0x0: {  	(tag) =	ssettag $0x1  }
0x1: {  	v1 =	vlaneseq.u32;
	v7 =	vimm.s32 $0x752A;
	vm7 =	vcmask $0x300  }
0x2: {  	vm6 =	vcmask $0x704;
	vm5 =	vcmask $0xB08;
	vm2 =	vcmask $0xF0C  }
0x3: {  	v10 =	vimm.s32 $0x752B;
	vm1 =	vcmask $0x1310;
	v11 =	vimm.s32 $0x3A95  }
0x4: {  	vm3 =	vcmask $0x1714;
	vm4 =	vcmask $0x1B18;
	vm8 =	vcmask $0x1F00  }
0x5: {  	vm0 =	vmmov $0xff;
	v14 =	vimm.s32 $0x752C;
	v15 =	vimm.s32 $0x752D  }
0x6: {  	v16 =	vimm.s32 $0x3A96;
	v17 =	vimm.s32 $0x752E;
	v18 =	vimm.s32 $0x752F  }
0x7: {  	v19 =	vimm.s32 $0x3A97;
	v0 =	vmul.u32 $0x6, v1;
	v1 =	vmul.u32 $0x3, v1  }
0x8: {  	v8 =	vsel vm7, $0x7500, v7;
	v10 =	vsel vm7, $0x7501, v10;
	v11 =	vsel vm7, $0x3A80, v11  }
0x9: {  	v14 =	vsel vm7, $0x7502, v14;
	v15 =	vsel vm7, $0x7503, v15;
	v16 =	vsel vm7, $0x3A81, v16  }
0xa: {  	v17 =	vsel vm7, $0x7504, v17;
	v18 =	vsel vm7, $0x7505, v18;
	v19 =	vsel vm7, $0x3A82, v19  }
0xb: {  	v8 =	vsel vm6, $0x7506, v8;
	v10 =	vsel vm6, $0x7507, v10;
	v11 =	vsel vm6, $0x3A83, v11  }
0xc: {  	v14 =	vsel vm6, $0x7508, v14;
	v15 =	vsel vm6, $0x7509, v15;
	v16 =	vsel vm6, $0x3A84, v16  }
0xd: {  	v17 =	vsel vm6, $0x750A, v17;
	v18 =	vsel vm6, $0x750B, v18;
	v19 =	vsel vm6, $0x3A85, v19  }
0xe: {  	v2 =	vor.u32 $0x1, v0;
	v3 =	vadd.s32 $0x2, v0;
	v4 =	vadd.s32 $0x3, v0  }
0xf: {  	v5 =	vadd.s32 $0x1, v1;
	v6 =	vadd.s32 $0x4, v0;
	v7 =	vadd.s32 $0x5, v0  }
0x10: {  	v9 =	vsel vm5, $0x750C, v8;
	v8 =	vadd.s32 $0x2, v1;
	v10 =	vsel vm5, $0x750D, v10  }
0x11: {  	v11 =	vsel vm5, $0x3A86, v11;
	v14 =	vsel vm5, $0x750E, v14;
	v15 =	vsel vm5, $0x750F, v15  }
0x12: {  	v16 =	vsel vm5, $0x3A87, v16;
	v17 =	vsel vm5, $0x7510, v17;
	v18 =	vsel vm5, $0x7511, v18  }
0x13: {  	s0 =	rddreg [dreg:$0x0];
	v19 =	vsel vm5, $0x3A88, v19;
	v9 =	vsel vm2, $0x7512, v9;
	v10 =	vsel vm2, $0x7513, v10  }
0x14: {  	s3 =	srdreg.scid;
	s2 =	rddreg [dreg:$0x1];
	v11 =	vsel vm2, $0x3A89, v11;
	v14 =	vsel vm2, $0x7514, v14;
	v15 =	vsel vm2, $0x7515, v15  }
0x15: {  	s1 =	stileid.u32;
	s8 =	rddreg [dreg:$0x2];
	v16 =	vsel vm2, $0x3A8A, v16;
	v17 =	vsel vm2, $0x7516, v17;
	v18 =	vsel vm2, $0x7517, v18  }
0x16: {  	s4 =	simm.s32 $0x0;
	s13 =	simm.s32 $0x12600;
	s14 =	simm.s32 $0x1;
	v19 =	vsel vm2, $0x3A8B, v19;
	v9 =	vsel vm1, $0x7518, v9;
	v10 =	vsel vm1, $0x7519, v10  }
0x17: {  	s15 =	simm.s32 $0x3;
	s16 =	simm.s32 $0x2;
	s17 =	simm.s32 $0x4;
	v11 =	vsel vm1, $0x3A8C, v11;
	v14 =	vsel vm1, $0x751A, v14;
	v15 =	vsel vm1, $0x751B, v15  }
0x18: {  	s18 =	simm.s32 $0x16100;
	s7 =	sand.u32 $0x1, s3;
	s30 =	sshll.u32 s1, $0x1;
	v16 =	vsel vm1, $0x3A8D, v16;
	v17 =	vsel vm1, $0x751C, v17;
	v18 =	vsel vm1, $0x751D, v18  }
0x19: {  	s19 =	simm.s32 $0x5;
	s3 =	rddreg [dreg:$0x3];
	s6 =	sor.u32 s7, s30;
	v19 =	vsel vm1, $0x3A8E, v19;
	v9 =	vsel vm3, $0x751E, v9;
	v10 =	vsel vm3, $0x751F, v10  }
0x1a: {  	s20 =	simm.s32 $0x0;
	[smem:$0x7FF] =	sst s4;
	s5 =	smul.u32 $0xB71B0, s6;
	v12 =	vsel vm3, $0x3A8F, v11;
	v11 =	vimm.f32 $0.0e+00;
	v14 =	vsel vm3, $0x7520, v14  }
0x1b: {  	s7 =	ssub.s32 $0x2, s7;
	s9 =	sshll.u32 s6, $0x8;
	s6 =	smul.u32 $0x5B8D8, s6;
	v15 =	vsel vm3, $0x7521, v15;
	v16 =	vsel vm3, $0x3A90, v16;
	v17 =	vsel vm3, $0x7522, v17  }
0x1c: {  	_ =	strace $0x80000047;
	s31 =	sshrl.u32 s7, $0x1;
	s9 =	sadd.s32 s9, s8;
	v18 =	vsel vm3, $0x7523, v18;
	v19 =	vsel vm3, $0x3A91, v19;
	v9 =	vsel vm4, $0x7524, v9  }
0x1d: {  	s12 =	ssub.s32 s7, s31;
	s10 =	sshrl.u32 s5, $0x3;
	s11 =	sshrl.u32 s6, $0x3;
	v10 =	vsel vm4, $0x7525, v10;
	v12 =	vsel vm4, $0x3A92, v12;
	v13 =	vsel vm8, $0x3F800000, v11  }
0x1e: {  	s9 =	sadd.s32 $0x400, s9;
	s7 =	sadd.s32 s0, s10;
	s8 =	sadd.s32 s2, s11;
	v14 =	vsel vm4, $0x7526, v14;
	v15 =	vsel vm4, $0x7527, v15;
	v16 =	vsel vm4, $0x3A93, v16  }
0x1f: {  	s10 =	smax.u32 s12, $0x1;
	s11 =	simm.s32 $0xEB00;
	s12 =	simm.s32 $0x7580;
	v17 =	vsel vm4, $0x7528, v17;
	v18 =	vsel vm4, $0x7529, v18;
	v19 =	vsel vm4, $0x3A94, v19  }
.LBB2_1:
0x20: {  	[tilespmem:s4], [sflag:$0x1] =	stream.linear.gather [hbm4b:s7+s4], $0x7530, $0x38;
	v28 =	vimm.f32 $0.0e+00;
	v27 =	vimm.f32 $0.0e+00;
	v20 =	vimm.f32 $0.0e+00;
	[tilespmem:$0x16900] =	vst v63  }
0x21: {  	v24 =	vimm.f32 $0.0e+00;
	v26 =	vimm.f32 $0.0e+00;
	v21 =	vimm.f32 $0.0e+00;
	s21 =	simm.s32 $0x0  }
0x22: {  	v25 =	vimm.f32 $0.0e+00;
	v23 =	vimm.f32 $0.0e+00;
	v22 =	vimm.f32 $0.0e+00;
	[tilespmem:s11], [sflag:$0x3] =	stream.linear.gather [hbm4b:s8+s4], $0x3A98, $0x38;
	[tilespmem:$0x16900] =	vst v63  }
.LBB2_2:
0x23: {  	s22 =	sshllo.u32 s21, $0x1  }
0x24: {  	s23 =	smul.u32 $0x7530, s22  }
0x25: {  	s22 =	smul.u32 $0x3A98, s22  }
0x26: {  	s23 =	sadd.s32 s5, s23  }
0x27: {  	s22 =	sadd.s32 s6, s22;
	s23 =	sshrl.u32 s23, $0x3  }
0x28: {  	s24 =	simm.s32 $0x0;
	s22 =	sshrl.u32 s22, $0x3;
	s23 =	sadd.s32 s0, s23  }
0x29: {  	[tilespmem:s12], [sflag:$0x2] =	stream.linear.gather [hbm4b:s23+s24], $0x7530, $0x38;
	[tilespmem:$0x16900] =	vst v63  }
0x2a: {  	s22 =	sadd.s32 s2, s22  }
0x2b: {  	[tilespmem:s13], [sflag:$0x4] =	stream.linear.gather [hbm4b:s22+s24], $0x3A98, $0x38;
	[tilespmem:$0x16900] =	vst v63  }
0x2c: {  	_ =	swait.ge [sflag:s14], $0x7530  }
0x2d: {  	v29 =	vadd.s32 s24, v7;
	[sflag:s14] =	ssyncset.done $0x0  }
0x2e: {  	v30 =	vadd.s32 s24, v4;
	[sflag:s14] =	ssyncadd.s32 $0xFFFF8AD0  }
0x2f: {  	v31 =	vadd.s32 s24, v2;
	_ =	swait.ge [sflag:s15], $0x3A98  }
0x30: {  	v32 =	vadd.s32 s24, v0;
	[sflag:s15] =	ssyncset.done $0x0  }
0x31: {  	v34 =	vadd.s32 s24, v3;
	[sflag:s15] =	ssyncadd.s32 $0xFFFFC568  }
0x32: {  	v35 =	vadd.s32 s24, v6;
	v39 =	vld.idx.msk [tilespmem:v29+s4+$0x0], $0xffff  }
0x33: {  	v43 =	vadd.s32 s24, v5;
	v33 =	vld.idx.msk [tilespmem:v30+s4+$0x0], $0xffff  }
0x34: {  	v29 =	vadd.s32 s24, v8;
	v31 =	vld.idx.msk [tilespmem:v31+s4+$0x0], $0xffff  }
0x35: {  	s31 =	simm.s32 $0x60;
	v30 =	vadd.s32 s24, v1;
	v37 =	vld.idx.msk [tilespmem:v32+s4+$0x0], $0xffff  }
0x36: {  	v44 =	vadd.s32 s31, v7;
	v38 =	vld.idx.msk [tilespmem:v34+s4+$0x0], $0xffff  }
0x37: {  	v46 =	vadd.s32 s31, v4;
	v32 =	vld.idx.msk [tilespmem:v35+s4+$0x0], $0xffff  }
0x38: {  	v40 =	vadd.s32 s31, v2;
	v35 =	vld.idx.msk [tilespmem:v43+s11+$0x0], $0xffff  }
0x39: {  	v41 =	vadd.s32 s31, v0;
	v36 =	vld.idx.msk [tilespmem:v29+s11+$0x0], $0xffff  }
0x3a: {  	v42 =	vadd.s32 s31, v3;
	s22 =	simm.s32 $0x30;
	v34 =	vld.idx.msk [tilespmem:v30+s11+$0x0], $0xffff  }
0x3b: {  	v28 =	vadd.f32 $1.000000000e+00, v28;
	v45 =	vadd.s32 s31, v6;
	v43 =	vadd.s32 s22, v5;
	v29 =	vld.idx.msk [tilespmem:v44+s4+$0x0], $0xffff  }
0x3c: {  	s23 =	sshll.u32 s21, $0x1;
	s24 =	simm.s32 $0xC0;
	v39 =	vmul.f32 v39, v39;
	v44 =	vadd.s32 s22, v1;
	v30 =	vld.idx.msk [tilespmem:v46+s4+$0x0], $0xffff;
	v46 =	vadd.s32 s22, v8  }
.LBB2_3:
0x3d: {  	v47 =	vadd.s32 s24, v7;
	p0 =	sne.s32 s24, $0x74A0;
	v48 =	vld.idx.msk [tilespmem:v40+s4+$0x0], $0xffff;
	v25 =	vadd.f32 $1.000000000e+00, v25;
	v24 =	vadd.f32 $1.000000000e+00, v24  }
0x3e: {  	v33 =	vmul.f32 v33, v33;
	v36 =	vsub.f32 v32, v36;
	v27 =	vadd.f32 v39, v27;
	v49 =	vld.idx.msk [tilespmem:v41+s4+$0x0], $0xffff  }
0x3f: {  	v50 =	vadd.s32 s24, v4;
	v31 =	vmul.f32 v31, v31;
	v34 =	vsub.f32 v37, v34;
	v51 =	vld.idx.msk [tilespmem:v42+s4+$0x0], $0xffff  }
0x40: {  	v35 =	vsub.f32 v38, v35;
	v26 =	vadd.f32 v33, v26;
	v39 =	vmul.f32 v36, v36;
	v32 =	vld.idx.msk [tilespmem:v45+s4+$0x0], $0xffff  }
.Ltmp0:
0x41: {  	v40 =	vadd.s32 s24, v2;
	v23 =	vadd.f32 v31, v23;
	v36 =	vld.idx.msk [tilespmem:v46+s11+$0x0], $0xffff;
	v46 =	vmul.f32 v34, v34;
	(pc) =	sbr.rel @p0 .LBB2_3-.Ltmp0, $4  }
0x42: {  	v41 =	vadd.s32 s24, v0;
	v52 =	vmul.f32 v35, v35;
	v20 =	vadd.f32 v39, v20;
	v33 =	vmovc v30;
	v34 =	vld.idx.msk [tilespmem:v44+s11+$0x0], $0xffff  }
0x43: {  	v28 =	vadd.f32 $1.000000000e+00, v28;
	v42 =	vadd.s32 s24, v3;
	v31 =	vmovc v48;
	v35 =	vld.idx.msk [tilespmem:v43+s11+$0x0], $0xffff;
	v22 =	vadd.f32 v46, v22  }
0x44: {  	s22 =	sadd.s32 $0x30, s22;
	v45 =	vadd.s32 s24, v6;
	v39 =	vmul.f32 v29, v29;
	v21 =	vadd.f32 v52, v21;
	v37 =	vmovc v49;
	v29 =	vld.idx.msk [tilespmem:v47+s4+$0x0], $0xffff  }
0x45: {  	s24 =	sadd.s32 $0x60, s24;
	v44 =	vadd.s32 s22, v1;
	v43 =	vadd.s32 s22, v5;
	v46 =	vadd.s32 s22, v8;
	v38 =	vmovc v51;
	v30 =	vld.idx.msk [tilespmem:v50+s4+$0x0], $0xffff  }
0x46: {  	_ =	sdelay $0x3  }
0x47: {  	v40 =	vld.idx.msk [tilespmem:v40+s4+$0x0], $0xffff  }
0x48: {  	v41 =	vld.idx.msk [tilespmem:v41+s4+$0x0], $0xffff  }
0x49: {  	v42 =	vld.idx.msk [tilespmem:v42+s4+$0x0], $0xffff  }
0x4a: {  	v45 =	vld.idx.msk [tilespmem:v45+s4+$0x0], $0xffff  }
0x4b: {  	v46 =	vld.idx.msk [tilespmem:v46+s11+$0x0], $0xffff  }
0x4c: {  	v44 =	vld.idx.msk [tilespmem:v44+s11+$0x0], $0xffff  }
0x4d: {  	v43 =	vld.idx.msk [tilespmem:v43+s11+$0x0], $0xffff  }
0x4e: {  	v49 =	vld.idx.msk [tilespmem:v12+s11+$0x0], $0xffff  }
0x4f: {  	v63 =	vld.idx.msk [tilespmem:v16+s11+$0x0], $0xffff  }
0x50: {  	s22 =	simm.s32 $0x0;
	v52 =	vld.idx.msk [tilespmem:v19+s11+$0x0], $0xffff  }
0x51: {  	v32 =	vsub.f32 v32, v36;
	s23 =	sadd.s32 $0x2, s23;
	v33 =	vmul.f32 v33, v33;
	v27 =	vadd.f32 v39, v27;
	v47 =	vld.idx.msk [tilespmem:v9+s22+$0x0], $0xffff  }
0x52: {  	v31 =	vmul.f32 v31, v31;
	v25 =	vadd.f32 $1.000000000e+00, v25;
	v24 =	vadd.f32 $1.000000000e+00, v24;
	v48 =	vld.idx.msk [tilespmem:v10+s22+$0x0], $0xffff;
	s24 =	smul.u32 $0x7530, s23  }
0x53: {  	v53 =	vadd.f32 $1.000000000e+00, v28;
	v61 =	vld.idx.msk [tilespmem:v14+s22+$0x0], $0xffff;
	v34 =	vsub.f32 v37, v34;
	s23 =	smul.u32 $0x3A98, s23;
	v56 =	vadd.s32 s22, v0  }
0x54: {  	v62 =	vld.idx.msk [tilespmem:v15+s22+$0x0], $0xffff;
	v57 =	vadd.s32 s22, v3;
	v35 =	vsub.f32 v38, v35;
	v32 =	vmul.f32 v32, v32;
	s24 =	sadd.s32 s5, s24  }
0x55: {  	v50 =	vld.idx.msk [tilespmem:v17+s22+$0x0], $0xffff;
	v26 =	vadd.f32 v33, v26;
	v23 =	vadd.f32 v31, v23;
	v28 =	vmul.f32 v29, v29;
	s23 =	sadd.s32 s6, s23;
	s24 =	sshrl.u32 s24, $0x3  }
0x56: {  	v51 =	vld.idx.msk [tilespmem:v18+s22+$0x0], $0xffff;
	v39 =	vmul.f32 v34, v34;
	v31 =	vmul.f32 v35, v35;
	v20 =	vadd.f32 v32, v20;
	s23 =	sshrl.u32 s23, $0x3;
	s24 =	sadd.s32 s0, s24  }
0x57: {  	v29 =	vmul.f32 v30, v30;
	v30 =	vsub.f32 v45, v46;
	v27 =	vadd.f32 v28, v27;
	[tilespmem:s22], [sflag:$0x1] =	stream.linear.gather [hbm4b:s24+s22], $0x7530, $0x38;
	[tilespmem:$0x16900] =	vst v63  }
0x58: {  	v28 =	vsub.f32 v41, v44;
	s23 =	sadd.s32 s2, s23;
	v21 =	vadd.f32 v31, v21;
	v31 =	vmul.f32 v40, v40  }
0x59: {  	v54 =	vsub.f32 v42, v43;
	v26 =	vadd.f32 v29, v26;
	v29 =	vmul.f32 v30, v30;
	[tilespmem:s11], [sflag:$0x3] =	stream.linear.gather [hbm4b:s23+s22], $0x3A98, $0x38;
	[tilespmem:$0x16900] =	vst v63  }
0x5a: {  	v22 =	vadd.f32 v39, v22;
	v28 =	vmul.f32 v28, v28;
	v23 =	vadd.f32 v31, v23;
	_ =	swait.ge [sflag:s16], $0x7530  }
0x5b: {  	v31 =	vmul.f32 v54, v54;
	v55 =	vadd.f32 v29, v20;
	v29 =	vadd.s32 s22, v7;
	[sflag:s16] =	ssyncset.done $0x0  }
0x5c: {  	v30 =	vsub.f32 v47, v49;
	v20 =	vadd.f32 v28, v22;
	v28 =	vadd.s32 s22, v4;
	[sflag:s16] =	ssyncadd.s32 $0xFFFF8AD0  }
0x5d: {  	v58 =	vadd.s32 s22, v6;
	v39 =	vadd.f32 v31, v21;
	v31 =	vadd.s32 s22, v2;
	_ =	swait.ge [sflag:s17], $0x3A98  }
0x5e: {  	v25 =	vadd.f32 $1.000000000e+00, v25;
	v22 =	vmul.f32 v30, v30;
	v21 =	vmul.f32 v48, v48;
	[sflag:s17] =	ssyncset.done $0x0  }
0x5f: {  	s31 =	simm.s32 $0x60;
	v60 =	vadd.s32 s22, v1;
	v24 =	vadd.f32 $1.000000000e+00, v24;
	v30 =	vsub.f32 v61, v63;
	[sflag:s17] =	ssyncadd.s32 $0xFFFFC568  }
0x60: {  	v41 =	vadd.s32 s31, v2;
	v22 =	vnsel vm0, $0x0, v22;
	v21 =	vnsel vm0, $0x0, v21;
	v59 =	vld.idx.msk [tilespmem:v29+s12+$0x0], $0xffff  }
0x61: {  	v20 =	vadd.f32 v22, v20;
	v22 =	vmul.f32 v30, v30;
	v21 =	vadd.f32 v21, v23;
	v30 =	vld.idx.msk [tilespmem:v28+s12+$0x0], $0xffff  }
0x62: {  	v23 =	vadd.f32 v13, v25;
	v25 =	vsub.f32 v50, v52;
	v28 =	vadd.s32 s22, v8;
	v31 =	vld.idx.msk [tilespmem:v31+s12+$0x0], $0xffff  }
0x63: {  	v61 =	vadd.s32 s22, v5;
	v22 =	vnsel vm0, $0x0, v22;
	v29 =	vmul.f32 v62, v62;
	v36 =	vld.idx.msk [tilespmem:v56+s12+$0x0], $0xffff  }
0x64: {  	v63 =	vadd.s32 s31, v4;
	v22 =	vadd.f32 v22, v39;
	v33 =	vmul.f32 v25, v25;
	v39 =	vld.idx.msk [tilespmem:v57+s12+$0x0], $0xffff  }
0x65: {  	v32 =	vmul.f32 v51, v51;
	v62 =	vadd.s32 s31, v7;
	v35 =	vld.idx.msk [tilespmem:v60+s13+$0x0], $0xffff;
	v25 =	vnsel vm0, $0x0, v29  }
0x66: {  	v42 =	vadd.s32 s31, v0;
	v25 =	vadd.f32 v25, v26;
	v26 =	vnsel vm0, $0x0, v33;
	v33 =	vld.idx.msk [tilespmem:v58+s12+$0x0], $0xffff  }
0x67: {  	v29 =	vadd.f32 v13, v24;
	v24 =	vadd.f32 v26, v55;
	v26 =	vnsel vm0, $0x0, v32;
	v34 =	vld.idx.msk [tilespmem:v28+s13+$0x0], $0xffff  }
0x68: {  	v43 =	vadd.s32 s31, v3;
	v37 =	vld.idx.msk [tilespmem:v61+s13+$0x0], $0xffff;
	s22 =	simm.s32 $0x30;
	v28 =	vadd.f32 v26, v27;
	v26 =	vadd.f32 v13, v53  }
0x69: {  	v44 =	vadd.s32 s31, v6;
	v40 =	vadd.s32 s22, v1;
	v38 =	vadd.s32 s22, v5;
	v32 =	vld.idx.msk [tilespmem:v63+s12+$0x0], $0xffff  }
0x6a: {  	s23 =	simm.s32 $0xC0;
	v46 =	vadd.s32 s22, v8;
	v27 =	vld.idx.msk [tilespmem:v62+s12+$0x0], $0xffff;
	v45 =	vmul.f32 v59, v59;
	v26 =	vadd.f32 $1.000000000e+00, v26  }
.LBB2_5:
0x6b: {  	v47 =	vadd.s32 s23, v7;
	p0 =	sne.s32 s23, $0x74A0;
	v48 =	vld.idx.msk [tilespmem:v41+s12+$0x0], $0xffff;
	v23 =	vadd.f32 $1.000000000e+00, v23;
	v29 =	vadd.f32 $1.000000000e+00, v29  }
0x6c: {  	v30 =	vmul.f32 v30, v30;
	v34 =	vsub.f32 v33, v34;
	v28 =	vadd.f32 v45, v28;
	v49 =	vld.idx.msk [tilespmem:v42+s12+$0x0], $0xffff  }
0x6d: {  	v50 =	vadd.s32 s23, v4;
	v31 =	vmul.f32 v31, v31;
	v35 =	vsub.f32 v36, v35;
	v51 =	vld.idx.msk [tilespmem:v43+s12+$0x0], $0xffff  }
0x6e: {  	v36 =	vsub.f32 v39, v37;
	v25 =	vadd.f32 v30, v25;
	v37 =	vmul.f32 v34, v34;
	v33 =	vld.idx.msk [tilespmem:v44+s12+$0x0], $0xffff  }
.Ltmp1:
0x6f: {  	v41 =	vadd.s32 s23, v2;
	v21 =	vadd.f32 v31, v21;
	v39 =	vmul.f32 v35, v35;
	v34 =	vld.idx.msk [tilespmem:v46+s13+$0x0], $0xffff;
	(pc) =	sbr.rel @p0 .LBB2_5-.Ltmp1, $4  }
0x70: {  	v42 =	vadd.s32 s23, v0;
	v24 =	vadd.f32 v37, v24;
	v30 =	vmovc v32;
	v35 =	vld.idx.msk [tilespmem:v40+s13+$0x0], $0xffff;
	v40 =	vmul.f32 v36, v36  }
0x71: {  	v26 =	vadd.f32 $1.000000000e+00, v26;
	v43 =	vadd.s32 s23, v3;
	v20 =	vadd.f32 v39, v20;
	v31 =	vmovc v48;
	v37 =	vld.idx.msk [tilespmem:v38+s13+$0x0], $0xffff  }
0x72: {  	s22 =	sadd.s32 $0x30, s22;
	v44 =	vadd.s32 s23, v6;
	v45 =	vmul.f32 v27, v27;
	v36 =	vmovc v49;
	v27 =	vld.idx.msk [tilespmem:v47+s12+$0x0], $0xffff;
	v22 =	vadd.f32 v40, v22  }
0x73: {  	s23 =	sadd.s32 $0x60, s23;
	v46 =	vadd.s32 s22, v8;
	v38 =	vadd.s32 s22, v5;
	v40 =	vadd.s32 s22, v1;
	v39 =	vmovc v51;
	v32 =	vld.idx.msk [tilespmem:v50+s12+$0x0], $0xffff  }
0x74: {  	_ =	sdelay $0x3  }
0x75: {  	v41 =	vld.idx.msk [tilespmem:v41+s12+$0x0], $0xffff  }
0x76: {  	v42 =	vld.idx.msk [tilespmem:v42+s12+$0x0], $0xffff  }
0x77: {  	v43 =	vld.idx.msk [tilespmem:v43+s12+$0x0], $0xffff  }
0x78: {  	v44 =	vld.idx.msk [tilespmem:v44+s12+$0x0], $0xffff  }
0x79: {  	v53 =	vld.idx.msk [tilespmem:v46+s13+$0x0], $0xffff  }
0x7a: {  	v23 =	vadd.f32 $1.000000000e+00, v23;
	v30 =	vmul.f32 v30, v30;
	v33 =	vsub.f32 v33, v34;
	v55 =	vld.idx.msk [tilespmem:v40+s13+$0x0], $0xffff  }
0x7b: {  	v29 =	vadd.f32 $1.000000000e+00, v29;
	v31 =	vmul.f32 v31, v31;
	v56 =	vld.idx.msk [tilespmem:v38+s13+$0x0], $0xffff;
	v35 =	vsub.f32 v36, v35  }
0x7c: {  	v28 =	vadd.f32 v45, v28;
	v57 =	vld.idx.msk [tilespmem:v9+s12+$0x0], $0xffff;
	v25 =	vadd.f32 v30, v25;
	v30 =	vmul.f32 v33, v33  }
0x7d: {  	v59 =	vld.idx.msk [tilespmem:v17+s12+$0x0], $0xffff;
	v54 =	vsub.f32 v39, v37;
	v21 =	vadd.f32 v31, v21;
	v35 =	vmul.f32 v35, v35  }
0x7e: {  	v27 =	vmul.f32 v27, v27;
	v24 =	vadd.f32 v30, v24;
	v30 =	vadd.f32 $1.000000000e+00, v26;
	v26 =	vld.idx.msk [tilespmem:v12+s13+$0x0], $0xffff  }
0x7f: {  	v58 =	vadd.f32 $1.000000000e+00, v23;
	v29 =	vadd.f32 $1.000000000e+00, v29;
	v23 =	vld.idx.msk [tilespmem:v14+s12+$0x0], $0xffff;
	v31 =	vmul.f32 v54, v54  }
0x80: {  	v20 =	vadd.f32 v35, v20;
	v27 =	vadd.f32 v27, v28;
	v28 =	vld.idx.msk [tilespmem:v16+s13+$0x0], $0xffff  }
0x81: {  	v32 =	vmul.f32 v32, v32;
	v34 =	vsub.f32 v44, v53;
	v22 =	vadd.f32 v31, v22;
	v31 =	vld.idx.msk [tilespmem:v10+s12+$0x0], $0xffff  }
0x82: {  	v62 =	vld.idx.msk [tilespmem:v15+s12+$0x0], $0xffff;
	v37 =	vsub.f32 v42, v55;
	v33 =	vsub.f32 v43, v56;
	v60 =	vmul.f32 v41, v41  }
0x83: {  	v61 =	vld.idx.msk [tilespmem:v19+s13+$0x0], $0xffff;
	v32 =	vadd.f32 v32, v25;
	v34 =	vmul.f32 v34, v34;
	v26 =	vsub.f32 v57, v26  }
0x84: {  	v63 =	vld.idx.msk [tilespmem:v18+s12+$0x0], $0xffff;
	v25 =	vmul.f32 v37, v37;
	v33 =	vmul.f32 v33, v33;
	v21 =	vadd.f32 v60, v21  }
0x85: {  	v34 =	vadd.f32 v34, v24;
	v23 =	vsub.f32 v23, v28;
	v24 =	vmul.f32 v26, v26  }
0x86: {  	v20 =	vadd.f32 v25, v20;
	v26 =	vadd.f32 v33, v22;
	v25 =	vmul.f32 v31, v31  }
0x87: {  	s21 =	sadd.s32 $0x1, s21;
	v31 =	vmul.f32 v62, v62;
	v28 =	vmul.f32 v23, v23;
	v22 =	vnsel vm0, $0x0, v24  }
0x88: {  	p0 =	sne.s32 s21, $0xC;
	v24 =	vnsel vm0, $0x0, v25;
	v22 =	vadd.f32 v22, v20;
	v20 =	vsub.f32 v59, v61  }
.Ltmp2:
0x89: {  	v23 =	vadd.f32 v24, v21;
	v21 =	vnsel vm0, $0x0, v28;
	v28 =	vmul.f32 v63, v63;
	(pc) =	sbr.rel @p0 .LBB2_2-.Ltmp2, $4  }
0x8a: {  	v25 =	vadd.f32 v13, v58;
	v24 =	vnsel vm0, $0x0, v31;
	v20 =	vmul.f32 v20, v20  }
0x8b: {  	v21 =	vadd.f32 v21, v26;
	v26 =	vadd.f32 v24, v32;
	v28 =	vnsel vm0, $0x0, v28  }
0x8c: {  	v24 =	vadd.f32 v13, v29;
	v27 =	vadd.f32 v28, v27;
	v20 =	vnsel vm0, $0x0, v20  }
0x8d: {  	v28 =	vadd.f32 v13, v30;
	v20 =	vadd.f32 v20, v34  }
0x8e: {  	_ =	swait.ge [sflag:s14], $0x7530;
	s21 =	simm.s32 $0x0  }
0x8f: {  	[sflag:s14] =	ssyncset.done $0x0;
	v29 =	vadd.s32 s21, v7  }
0x90: {  	v30 =	vadd.s32 s21, v4;
	[sflag:s14] =	ssyncadd.s32 $0xFFFF8AD0  }
0x91: {  	v32 =	vadd.s32 s21, v2;
	_ =	swait.ge [sflag:s15], $0x3A98  }
0x92: {  	v33 =	vadd.s32 s21, v0;
	[sflag:s15] =	ssyncset.done $0x0  }
0x93: {  	v34 =	vadd.s32 s21, v3;
	[sflag:s15] =	ssyncadd.s32 $0xFFFFC568  }
0x94: {  	v35 =	vadd.s32 s21, v6;
	v38 =	vld.idx.msk [tilespmem:v29+s4+$0x0], $0xffff  }
0x95: {  	v41 =	vadd.s32 s21, v5;
	v31 =	vld.idx.msk [tilespmem:v30+s4+$0x0], $0xffff  }
0x96: {  	v29 =	vadd.s32 s21, v8;
	v32 =	vld.idx.msk [tilespmem:v32+s4+$0x0], $0xffff  }
0x97: {  	s31 =	simm.s32 $0x60;
	v30 =	vadd.s32 s21, v1;
	v42 =	vld.idx.msk [tilespmem:v33+s4+$0x0], $0xffff  }
0x98: {  	v45 =	vadd.s32 s31, v7;
	v39 =	vld.idx.msk [tilespmem:v34+s4+$0x0], $0xffff  }
0x99: {  	v47 =	vadd.s32 s31, v4;
	v33 =	vld.idx.msk [tilespmem:v35+s4+$0x0], $0xffff  }
0x9a: {  	v43 =	vadd.s32 s31, v2;
	v35 =	vld.idx.msk [tilespmem:v41+s11+$0x0], $0xffff  }
0x9b: {  	v44 =	vadd.s32 s31, v0;
	v36 =	vld.idx.msk [tilespmem:v29+s11+$0x0], $0xffff  }
0x9c: {  	v40 =	vadd.s32 s31, v3;
	s21 =	simm.s32 $0x30;
	v37 =	vld.idx.msk [tilespmem:v30+s11+$0x0], $0xffff  }
0x9d: {  	v28 =	vadd.f32 $1.000000000e+00, v28;
	v34 =	vadd.s32 s31, v6;
	v46 =	vadd.s32 s21, v1;
	v29 =	vld.idx.msk [tilespmem:v45+s4+$0x0], $0xffff  }
0x9e: {  	s22 =	simm.s32 $0xC0;
	v41 =	vadd.s32 s21, v5;
	v45 =	vmul.f32 v38, v38;
	v30 =	vld.idx.msk [tilespmem:v47+s4+$0x0], $0xffff;
	v38 =	vadd.s32 s21, v8  }
.LBB2_8:
0x9f: {  	v47 =	vadd.s32 s22, v7;
	p0 =	sne.s32 s22, $0x74A0;
	v48 =	vld.idx.msk [tilespmem:v43+s4+$0x0], $0xffff;
	v25 =	vadd.f32 $1.000000000e+00, v25;
	v24 =	vadd.f32 $1.000000000e+00, v24  }
0xa0: {  	v31 =	vmul.f32 v31, v31;
	v36 =	vsub.f32 v33, v36;
	v27 =	vadd.f32 v45, v27;
	v49 =	vld.idx.msk [tilespmem:v44+s4+$0x0], $0xffff  }
0xa1: {  	v50 =	vadd.s32 s22, v4;
	v32 =	vmul.f32 v32, v32;
	v37 =	vsub.f32 v42, v37;
	v51 =	vld.idx.msk [tilespmem:v40+s4+$0x0], $0xffff  }
0xa2: {  	v26 =	vadd.f32 v31, v26;
	v33 =	vld.idx.msk [tilespmem:v34+s4+$0x0], $0xffff;
	v34 =	vsub.f32 v39, v35;
	v35 =	vmul.f32 v36, v36  }
.Ltmp3:
0xa3: {  	v43 =	vadd.s32 s22, v2;
	v23 =	vadd.f32 v32, v23;
	v36 =	vld.idx.msk [tilespmem:v38+s11+$0x0], $0xffff;
	v38 =	vmul.f32 v37, v37;
	(pc) =	sbr.rel @p0 .LBB2_8-.Ltmp3, $4  }
0xa4: {  	v44 =	vadd.s32 s22, v0;
	v31 =	vmovc v30;
	v37 =	vld.idx.msk [tilespmem:v46+s11+$0x0], $0xffff;
	v52 =	vmul.f32 v34, v34;
	v20 =	vadd.f32 v35, v20  }
0xa5: {  	v28 =	vadd.f32 $1.000000000e+00, v28;
	v40 =	vadd.s32 s22, v3;
	v32 =	vmovc v48;
	v35 =	vld.idx.msk [tilespmem:v41+s11+$0x0], $0xffff;
	v22 =	vadd.f32 v38, v22  }
0xa6: {  	s21 =	sadd.s32 $0x30, s21;
	v45 =	vmul.f32 v29, v29;
	v34 =	vadd.s32 s22, v6;
	v42 =	vmovc v49;
	v29 =	vld.idx.msk [tilespmem:v47+s4+$0x0], $0xffff;
	v21 =	vadd.f32 v52, v21  }
0xa7: {  	v46 =	vadd.s32 s21, v1;
	s22 =	sadd.s32 $0x60, s22;
	v41 =	vadd.s32 s21, v5;
	v38 =	vadd.s32 s21, v8;
	v39 =	vmovc v51;
	v30 =	vld.idx.msk [tilespmem:v50+s4+$0x0], $0xffff  }
0xa8: {  	_ =	sdelay $0x3  }
0xa9: {  	v43 =	vld.idx.msk [tilespmem:v43+s4+$0x0], $0xffff  }
0xaa: {  	v44 =	vld.idx.msk [tilespmem:v44+s4+$0x0], $0xffff  }
0xab: {  	v46 =	vld.idx.msk [tilespmem:v46+s11+$0x0], $0xffff  }
0xac: {  	v47 =	vld.idx.msk [tilespmem:v9+s4+$0x0], $0xffff  }
0xad: {  	v48 =	vld.idx.msk [tilespmem:v12+s11+$0x0], $0xffff  }
0xae: {  	v55 =	vld.idx.msk [tilespmem:v40+s4+$0x0], $0xffff  }
0xaf: {  	v56 =	vld.idx.msk [tilespmem:v41+s11+$0x0], $0xffff  }
0xb0: {  	v33 =	vsub.f32 v33, v36;
	v57 =	vld.idx.msk [tilespmem:v10+s4+$0x0], $0xffff  }
0xb1: {  	v25 =	vadd.f32 $1.000000000e+00, v25;
	v24 =	vadd.f32 $1.000000000e+00, v24;
	v31 =	vmul.f32 v31, v31;
	v59 =	vld.idx.msk [tilespmem:v14+s4+$0x0], $0xffff  }
0xb2: {  	v27 =	vadd.f32 v45, v27;
	v32 =	vmul.f32 v32, v32;
	v62 =	vld.idx.msk [tilespmem:v16+s11+$0x0], $0xffff;
	v54 =	vsub.f32 v42, v37  }
0xb3: {  	v34 =	vld.idx.msk [tilespmem:v34+s4+$0x0], $0xffff;
	v35 =	vsub.f32 v39, v35;
	v25 =	vadd.f32 $1.000000000e+00, v25  }
0xb4: {  	v38 =	vld.idx.msk [tilespmem:v38+s11+$0x0], $0xffff;
	v26 =	vadd.f32 v31, v26;
	v60 =	vmul.f32 v33, v33;
	v23 =	vadd.f32 v32, v23  }
0xb5: {  	v53 =	vld.idx.msk [tilespmem:v18+s4+$0x0], $0xffff;
	v36 =	vmul.f32 v54, v54;
	v54 =	vadd.f32 $1.000000000e+00, v24;
	v25 =	vadd.f32 v13, v25  }
0xb6: {  	v35 =	vmul.f32 v35, v35;
	v20 =	vadd.f32 v60, v20;
	v58 =	vsub.f32 v44, v46  }
0xb7: {  	v51 =	vld.idx.msk [tilespmem:v19+s11+$0x0], $0xffff;
	v30 =	vmul.f32 v30, v30;
	v61 =	vsub.f32 v47, v48;
	v22 =	vadd.f32 v36, v22  }
0xb8: {  	v43 =	vmul.f32 v43, v43;
	v45 =	vmul.f32 v57, v57;
	v46 =	vld.idx.msk [tilespmem:v15+s4+$0x0], $0xffff;
	v37 =	vsub.f32 v55, v56  }
0xb9: {  	v48 =	vld.idx.msk [tilespmem:v17+s4+$0x0], $0xffff;
	v50 =	vsub.f32 v59, v62;
	v56 =	vsub.f32 v34, v38;
	[tilespmem:$0x16280] =	vst v11  }
0xba: {  	[tilespmem:$0x16300] =	vst v11;
	v59 =	vmul.f32 v29, v29;
	v60 =	vmul.f32 v53, v53;
	v21 =	vadd.f32 v35, v21  }
0xbb: {  	[tilespmem:$0x16500] =	vst v11;
	v26 =	vadd.f32 v30, v26;
	v63 =	vmul.f32 v58, v58;
	v33 =	vmul.f32 v61, v61  }
0xbc: {  	[tilespmem:$0x16580] =	vst v11;
	v23 =	vadd.f32 v43, v23;
	v49 =	vnsel vm0, $0x0, v45;
	v52 =	vmul.f32 v37, v37  }
0xbd: {  	[tilespmem:$0x16780] =	vst v11;
	v36 =	vmul.f32 v50, v50;
	v22 =	vadd.f32 v63, v22;
	v47 =	vnsel vm0, $0x0, v33  }
0xbe: {  	[tilespmem:$0x16800] =	vst v11;
	v23 =	vadd.f32 v49, v23;
	v21 =	vadd.f32 v52, v21;
	v55 =	vmul.f32 v46, v46  }
0xbf: {  	[tilespmem:$0x16200] =	vst v25;
	v57 =	vnsel vm0, $0x0, v36;
	v58 =	vsub.f32 v48, v51;
	v22 =	vadd.f32 v47, v22  }
0xc0: {  	[tilespmem:$0x16180] =	vst v23;
	v21 =	vadd.f32 v57, v21;
	v23 =	vmul.f32 v56, v56;
	v24 =	vnsel vm0, $0x0, v55  }
0xc1: {  	v61 =	vadd.f32 v59, v27;
	v25 =	vmul.f32 v58, v58;
	[tilespmem:$0x16100] =	vst v22;
	v24 =	vadd.f32 v24, v26  }
0xc2: {  	v22 =	vadd.f32 v13, v54;
	[tilespmem:$0x16380] =	vst v21;
	v20 =	vadd.f32 v23, v20;
	v21 =	vnsel vm0, $0x0, v60  }
0xc3: {  	v63 =	vadd.f32 $1.000000000e+00, v28;
	v62 =	vnsel vm0, $0x0, v25;
	v21 =	vadd.f32 v21, v61;
	[tilespmem:$0x16400] =	vst v24  }
0xc4: {  	[tilespmem:$0x16480] =	vst v22;
	v20 =	vadd.f32 v62, v20  }
0xc5: {  	s20 =	sadd.s32 $0x1, s20;
	v22 =	vadd.f32 v13, v63;
	[tilespmem:$0x16680] =	vst v21  }
0xc6: {  	p0 =	sne.s32 s20, s10;
	[tilespmem:$0x16600] =	vst v20  }
.Ltmp4:
0xc7: {  	[tilespmem:$0x16700] =	vst v22;
	(pc) =	sbr.rel @p0 .LBB2_1-.Ltmp4, $4  }
0xc8: {  	[hbm4b:s9+s4] =	stream.linear.scatter [tilespmem:s18], [sflag:$0x5], $0x780, $0x38;
	[tilespmem:$0x16900] =	vst v63  }
0xc9: {  	_ =	swait.ge [sflag:s19], $0x780  }
0xca: {  	[sflag:s19] =	ssyncset.done $0x0  }
0xcb: {  	[sflag:s19] =	ssyncadd.s32 $0xFFFFF880  }
0xcc: {  	_ =	sfence.sel $0x180000  }
0xcd: {  	[bflag:$0x0] =	sbarrier.arrive $0xFFFF  }
0xce: {  	p0 =	sne.s32 s1, $0x0;
	_ =	strace $0x90000047  }
0xcf: {  	s0 =	sadd.s32 @!p0 $0x100000, s3;
	[bflag:$0x2] =	sbarrier.arrive $0xFFFF  }
0xd0: {  	[sflag:s0] =	ssyncadd.tile.s32 @!p0 $0x1;
	_ =	shalt  }
.Lfunc_end2:
_tile_overlayer_lowered:
.L_overlay_start_2:
0xd1: {  	(tag) =	ssettag $0x2  }
0xd2: {  	s0 =	rddreg [dreg:$0x0];
	s2 =	stileid.u32  }
0xd3: {  	s1 =	rddreg [dreg:$0x1];
	p0 =	sne.s32 s2, $0x0  }
0xd4: {  	s3 =	rddreg [dreg:$0x2];
	[bflag:$0x3] =	sbarrier.arrive $0xFFFF;
	s2 =	simm.s32 @!p0 $0x1C05  }
0xd5: {  	[timem:s3], [sflag:s2] =	dma.local @!p0 [hbm:s0], s1  }
0xd6: {  	s0 =	simm.s32 @!p0 $0x5  }
0xd7: {  	_ =	swait.ge @!p0 [sflag:s0], s1  }
0xd8: {  	s1 =	ssub.s32 @!p0 $0x0, s1;
	[sflag:s0] =	ssyncset.done @!p0 $0x0  }
0xd9: {  	[sflag:s0] =	ssyncadd.s32 @!p0 s1  }
0xda: {  	[bflag:$0x3] =	sbarrier.arrive $0xFFFF  }
0xdb: {  	_ =	shalt  }

</sc_bundles>
